<compile_context>
chip_gen: v7x
topology: tpu7x:2x2x1
jax: 0.10.2.dev20260603
libtpu: 0.0.44.dev20260713+nightly
codegen_flags: <defaults>
</compile_context>

<pallas_src>
import functools

import jax
import jax.numpy as jnp
from jax import lax
from jax.experimental import pallas as pl
from jax.experimental.pallas import tpu as pltpu
from jax.experimental.pallas import tpu_sc as plsc

N = 10000
D = 128
H = 128
E = 320000
G = 64
OUT = 10

NC = 2
NS = 16
NW = NC * NS
KC = 128
NCHP = 80
EP = NW * NCHP * KC
ROWS_PER_SUB = 632
NP = ROWS_PER_SUB * NS


def _make_agg():
    mesh = plsc.VectorSubcoreMesh(core_axis_name="c", subcore_axis_name="s")

    @functools.partial(
        pl.kernel,
        out_type=jax.ShapeDtypeStruct((NC * NP, H), jnp.float32),
        mesh=mesh,
        scratch_types=[
            pltpu.VMEM_SHARED((NP, H), jnp.float32),
            pltpu.VMEM((KC,), jnp.int32),
            pltpu.VMEM((KC,), jnp.int32),
            pltpu.VMEM((KC,), jnp.int32),
            pltpu.VMEM((KC, H), jnp.float32),
            pltpu.VMEM((KC, H), jnp.float32),
            pltpu.SemaphoreType.DMA,
            pltpu.SemaphoreType.DMA,
        ],
    )
    def agg(m_hbm, src_hbm, dst_hbm, zero_hbm, out_hbm,
            acc, src0, dst0, dst1, rows0, rows1, gsem, dsem):
        c = lax.axis_index("c")
        s = lax.axis_index("s")
        wid = c * NS + s
        r0 = s * ROWS_PER_SUB
        pltpu.sync_copy(zero_hbm.at[pl.ds(r0, ROWS_PER_SUB)],
                        acc.at[pl.ds(r0, ROWS_PER_SUB)])
        plsc.subcore_barrier()
        dbase = wid * NCHP * KC

        def g_start(j, buf):
            pltpu.make_async_copy(m_hbm.at[src0], buf, gsem).start()

        def g_wait(j, buf):
            pltpu.make_async_copy(m_hbm.at[src0], buf, gsem).wait()

        def d_start(j, buf):
            pltpu.make_async_copy(
                dst_hbm.at[pl.ds(dbase + j * KC, KC)], buf, dsem).start()

        def d_wait(j, buf):
            pltpu.make_async_copy(
                dst_hbm.at[pl.ds(dbase + j * KC, KC)], buf, dsem).wait()

        def body(j, carry):
            pltpu.sync_copy(src_hbm.at[pl.ds(dbase + j * KC, KC)], src0)
            d_start(j, dst0)
            g_start(j, rows0)
            d_wait(j, dst0)
            g_wait(j, rows0)
            pltpu.sync_copy(rows0, acc.at[dst0], add=True)
            return carry

        lax.fori_loop(0, NCHP, body, 0)
        plsc.subcore_barrier()
        pltpu.sync_copy(acc.at[pl.ds(r0, ROWS_PER_SUB)],
                        out_hbm.at[pl.ds(c * NP + r0, ROWS_PER_SUB)])

    return agg


_agg = _make_agg()


def _enc_body(x_ref, we_ref, be_ref, wn_ref, h_ref, m_ref):
    h = jnp.dot(x_ref[...], we_ref[...],
                preferred_element_type=jnp.float32) + be_ref[...]
    h_ref[...] = h
    m_ref[...] = jnp.dot(h, wn_ref[...], preferred_element_type=jnp.float32)


_enc = pl.pallas_call(
    _enc_body,
    out_shape=(jax.ShapeDtypeStruct((N, H), jnp.float32),
               jax.ShapeDtypeStruct((N, H), jnp.float32)),
)


def _mid_body(h_ref, a_ref, ws_ref, b_ref, wnn_ref, hn_ref, mn_ref):
    t = jnp.dot(h_ref[...], ws_ref[...], preferred_element_type=jnp.float32)
    t = t + a_ref[0:N, :] + a_ref[NP:NP + N, :] + b_ref[...]
    t = jnp.maximum(t, 0.0)
    hn_ref[...] = t
    mn_ref[...] = jnp.dot(t, wnn_ref[...], preferred_element_type=jnp.float32)


_mid = pl.pallas_call(
    _mid_body,
    out_shape=(jax.ShapeDtypeStruct((N, H), jnp.float32),
               jax.ShapeDtypeStruct((N, H), jnp.float32)),
)


def _fin_body(h_ref, a_ref, ws_ref, b_ref, batch_ref, wd_ref, bd_ref, out_ref):
    h3 = jnp.dot(h_ref[...], ws_ref[...], preferred_element_type=jnp.float32)
    h3 = h3 + a_ref[0:N, :] + a_ref[NP:NP + N, :] + b_ref[...]
    seg = lax.broadcasted_iota(jnp.int32, (G, N), 0)
    onehot = (seg == batch_ref[...]).astype(jnp.float32)
    g = jnp.dot(onehot, h3, preferred_element_type=jnp.float32)
    out_ref[...] = jnp.dot(g, wd_ref[...],
                           preferred_element_type=jnp.float32) + bd_ref[...]


_fin = pl.pallas_call(
    _fin_body,
    out_shape=jax.ShapeDtypeStruct((G, OUT), jnp.float32),
)


def kernel(x, edge_attr, edge_index, batch, W_enc, b_enc,
           W_self0, W_nbr0, b0, W_self1, W_nbr1, b1,
           W_self2, W_nbr2, b2, W_dec, b_dec):
    src = jnp.concatenate(
        [edge_index[0], jnp.zeros((EP - E,), jnp.int32)])
    dst = jnp.concatenate(
        [edge_index[1], jnp.full((EP - E,), NP - 1, jnp.int32)])
    zeros = jnp.zeros((NP, H), jnp.float32)
    batch2 = batch.reshape(1, N)

    h0, m0 = _enc(x, W_enc, b_enc.reshape(1, H), W_nbr0)
    a0 = _agg(m0, src, dst, zeros)
    h1, m1 = _mid(h0, a0, W_self0, b0.reshape(1, H), W_nbr1)
    a1 = _agg(m1, src, dst, zeros)
    h2, m2 = _mid(h1, a1, W_self1, b1.reshape(1, H), W_nbr2)
    a2 = _agg(m2, src, dst, zeros)
    out = _fin(h2, a2, W_self2, b2.reshape(1, H), batch2, W_dec,
               b_dec.reshape(1, OUT))
    return out

# --- scband reference (transcript-rebuilt; emitter-appended) ---
"""Pipeline reference for scband-gnn-31980326486103 (READ-ONLY COPY).

The authoritative reference and input builder live on the scoring server;
editing this copy changes nothing except your own understanding.
"""

import jax, jax.numpy as jnp
import numpy as np

N = 10000
E = 320000
D = 128
H = 128
OUT = 10
G = 64


def setup_inputs(seed: int = 0) -> dict:
    key = jax.random.key(seed)
    ks = jax.random.split(key, 20)
    x = jax.random.normal(ks[0], (N, D), dtype=jnp.float32)
    edge_index = jax.random.randint(ks[1], (2, E), 0, N, dtype=jnp.int32)
    edge_attr = jax.random.normal(ks[2], (E, 16), dtype=jnp.float32)
    batch = jnp.sort(jax.random.randint(ks[3], (N,), 0, G, dtype=jnp.int32))
    s_in = 1.0 / np.sqrt(D)
    s_h = 1.0 / np.sqrt(H)
    inp = {
        'x': x,
        'edge_attr': edge_attr,
        'edge_index': edge_index,
        'batch': batch,
        'W_enc': jax.random.normal(ks[4], (D, H), dtype=jnp.float32) * s_in,
        'b_enc': jnp.zeros((H,), dtype=jnp.float32),
        'W_self0': jax.random.normal(ks[5], (H, H), dtype=jnp.float32) * s_h,
        'W_nbr0': jax.random.normal(ks[6], (H, H), dtype=jnp.float32) * s_h,
        'b0': jnp.zeros((H,), dtype=jnp.float32),
        'W_self1': jax.random.normal(ks[7], (H, H), dtype=jnp.float32) * s_h,
        'W_nbr1': jax.random.normal(ks[8], (H, H), dtype=jnp.float32) * s_h,
        'b1': jnp.zeros((H,), dtype=jnp.float32),
        'W_self2': jax.random.normal(ks[9], (H, H), dtype=jnp.float32) * s_h,
        'W_nbr2': jax.random.normal(ks[10], (H, H), dtype=jnp.float32) * s_h,
        'b2': jnp.zeros((H,), dtype=jnp.float32),
        'W_dec': jax.random.normal(ks[11], (H, OUT), dtype=jnp.float32) * s_h,
        'b_dec': jnp.zeros((OUT,), dtype=jnp.float32),
    }
    return inp


def reference(x, edge_attr, edge_index, batch, W_enc, b_enc,
              W_self0, W_nbr0, b0, W_self1, W_nbr1, b1,
              W_self2, W_nbr2, b2, W_dec, b_dec):
    # node encoder (1 Linear layer; last encoder layer -> no nonlinearity after)
    h = x @ W_enc + b_enc
    src = edge_index[0]
    dst = edge_index[1]
    layers = [(W_self0, W_nbr0, b0), (W_self1, W_nbr1, b1), (W_self2, W_nbr2, b2)]
    n_layers = len(layers)
    for i, (Ws, Wn, b) in enumerate(layers):
        # message passing: gather from source nodes, scatter-add into destination nodes
        msg = jnp.take(h, src, axis=0)
        agg = jax.ops.segment_sum(msg, dst, num_segments=h.shape[0])
        h = h @ Ws + agg @ Wn + b
        # norm = Identity; relu between conv layers, not after the last one; dropout p=0
        if i != n_layers - 1:
            h = jax.nn.relu(h)
    # graph pooling: segment_csr with sorted batch ids and reduce='sum'
    g = jax.ops.segment_sum(h, batch, num_segments=G)
    # decoder (1 Linear layer)
    out = g @ W_dec + b_dec
    return out

if __name__ == "__main__":
    import jax
    _d = setup_inputs()
    print(jax.jit(kernel)(*tuple(_d.values())))

</pallas_src>

<mosaic_0001>
#map = affine_map<(d0, d1) -> (0, 0)>
#map1 = affine_map<(d0, d1) -> (0)>
module attributes {stable_mosaic.version = 14 : i64} {
  func.func @agg(%arg0: i32, %arg1: i32, %arg2: memref<10000x128xf32, #tpu.memory_space<hbm>>, %arg3: memref<327680xi32, #tpu.memory_space<hbm>>, %arg4: memref<327680xi32, #tpu.memory_space<hbm>>, %arg5: memref<10112x128xf32, #tpu.memory_space<hbm>>, %arg6: memref<20224x128xf32, #tpu.memory_space<hbm>>, %arg7: memref<10112x128xf32, #tpu.memory_space<vmem_shared>>, %arg8: memref<128xi32, #tpu.memory_space<vmem>>, %arg9: memref<128xi32, #tpu.memory_space<vmem>>, %arg10: memref<128xi32, #tpu.memory_space<vmem>>, %arg11: memref<128x128xf32, #tpu.memory_space<vmem>>, %arg12: memref<128x128xf32, #tpu.memory_space<vmem>>, %arg13: memref<!tpu.dma_semaphore, #tpu.memory_space<semaphore_mem>>, %arg14: memref<!tpu.dma_semaphore, #tpu.memory_space<semaphore_mem>>) attributes {dimension_semantics = [#tpu.dimension_semantics<core_parallel>, #tpu.dimension_semantics<subcore_parallel>], iteration_bounds = array<i64: 2, 16>, scalar_prefetch = 0 : i64, scratch_operands = 8 : i64, tpu.core_type = #tpu.core_type<sc_vector_subcore>, window_params = [{transform_indices = #map}, {transform_indices = #map1}, {transform_indices = #map1}, {transform_indices = #map}, {transform_indices = #map}]} {
    %mul3A = arith.constant 16 : i32
    %mul3A_0 = arith.muli %arg0, %mul3A : i32
    %add3A = arith.addi %mul3A_0, %arg1 : i32
    %mul3A_1 = arith.constant 632 : i32
    %mul3A_2 = arith.muli %arg1, %mul3A_1 : i32
    "tpu.region"() ({
      %run_scoped3A = tpu.sem_alloc : memref<!tpu.dma_semaphore, #tpu.memory_space<semaphore_mem>>
      %dma_start3A = arith.constant 0 : i32
      %dma_start3A_16 = tpu.memref_slice %arg7[%mul3A_2, %dma_start3A] : memref<10112x128xf32, #tpu.memory_space<vmem_shared>> -> memref<632x128xf32, #tpu.memory_space<vmem_shared>>
      %dma_start3A_17 = arith.constant 0 : i32
      %dma_start3A_18 = tpu.memref_slice %arg5[%mul3A_2, %dma_start3A_17] : memref<10112x128xf32, #tpu.memory_space<hbm>> -> memref<632x128xf32, #tpu.memory_space<hbm>>
      tpu.enqueue_dma source(%dma_start3A_18 : memref<632x128xf32, #tpu.memory_space<hbm>>) target(%dma_start3A_16 : memref<632x128xf32, #tpu.memory_space<vmem_shared>>) target_semaphore(%run_scoped3A : memref<!tpu.dma_semaphore, #tpu.memory_space<semaphore_mem>>)
      %dma_wait3A = arith.constant 0 : i32
      %dma_wait3A_19 = tpu.memref_slice %arg7[%mul3A_2, %dma_wait3A] : memref<10112x128xf32, #tpu.memory_space<vmem_shared>> -> memref<632x128xf32, #tpu.memory_space<vmem_shared>>
      %dma_wait3A_20 = arith.constant 0 : i32
      %dma_wait3A_21 = tpu.memref_slice %arg5[%mul3A_2, %dma_wait3A_20] : memref<10112x128xf32, #tpu.memory_space<hbm>> -> memref<632x128xf32, #tpu.memory_space<hbm>>
      tpu.wait_dma2 semaphore(%run_scoped3A : memref<!tpu.dma_semaphore, #tpu.memory_space<semaphore_mem>>) src(%dma_wait3A_21 : memref<632x128xf32, #tpu.memory_space<hbm>>) dst(%dma_wait3A_19 : memref<632x128xf32, #tpu.memory_space<vmem_shared>>)
      tpu.yield
    }) : () -> ()
    %barrier3A = arith.constant 0 : index
    tpu.barrier barrier_id(%barrier3A)
    %mul3A_3 = arith.constant 80 : i32
    %mul3A_4 = arith.muli %add3A, %mul3A_3 : i32
    %mul3A_5 = arith.constant 128 : i32
    %mul3A_6 = arith.muli %mul3A_4, %mul3A_5 : i32
    %scan3A = arith.constant 0 : i32
    %scan3A_7 = arith.constant 0 : i32
    %scan3A_8 = arith.constant 80 : i32
    %scan3A_9 = arith.addi %scan3A_7, %scan3A_8 : i32
    %scan3A_10 = arith.constant 1 : i32
    scf.for %scan3A_16 = %scan3A_7 to %scan3A_9 step %scan3A_10  : i32 {
      %mul3A_17 = arith.constant 128 : i32
      %mul3A_18 = arith.muli %scan3A_16, %mul3A_17 : i32
      %add3A_19 = arith.addi %mul3A_6, %mul3A_18 : i32
      "tpu.region"() ({
        %run_scoped3A = tpu.sem_alloc : memref<!tpu.dma_semaphore, #tpu.memory_space<semaphore_mem>>
        %dma_start3A_34 = tpu.memref_slice %arg3[%add3A_19] : memref<327680xi32, #tpu.memory_space<hbm>> -> memref<128xi32, #tpu.memory_space<hbm>>
        %dma_start3A_35 = tpu.memref_slice %arg3[%add3A_19] : memref<327680xi32, #tpu.memory_space<hbm>> -> memref<128xi32, #tpu.memory_space<hbm>>
        tpu.enqueue_dma source(%dma_start3A_35 : memref<128xi32, #tpu.memory_space<hbm>>) target(%arg8 : memref<128xi32, #tpu.memory_space<vmem>>) target_semaphore(%run_scoped3A : memref<!tpu.dma_semaphore, #tpu.memory_space<semaphore_mem>>)
        %dma_wait3A_36 = tpu.memref_slice %arg3[%add3A_19] : memref<327680xi32, #tpu.memory_space<hbm>> -> memref<128xi32, #tpu.memory_space<hbm>>
        %dma_wait3A_37 = tpu.memref_slice %arg3[%add3A_19] : memref<327680xi32, #tpu.memory_space<hbm>> -> memref<128xi32, #tpu.memory_space<hbm>>
        tpu.wait_dma2 semaphore(%run_scoped3A : memref<!tpu.dma_semaphore, #tpu.memory_space<semaphore_mem>>) src(%dma_wait3A_37 : memref<128xi32, #tpu.memory_space<hbm>>) dst(%arg8 : memref<128xi32, #tpu.memory_space<vmem>>)
        tpu.yield
      }) : () -> ()
      %mul3A_20 = arith.constant 128 : i32
      %mul3A_21 = arith.muli %scan3A_16, %mul3A_20 : i32
      %add3A_22 = arith.addi %mul3A_6, %mul3A_21 : i32
      %dma_start3A = tpu.memref_slice %arg4[%add3A_22] : memref<327680xi32, #tpu.memory_space<hbm>> -> memref<128xi32, #tpu.memory_space<hbm>>
      %dma_start3A_23 = tpu.memref_slice %arg4[%add3A_22] : memref<327680xi32, #tpu.memory_space<hbm>> -> memref<128xi32, #tpu.memory_space<hbm>>
      tpu.enqueue_dma source(%dma_start3A_23 : memref<128xi32, #tpu.memory_space<hbm>>) target(%arg9 : memref<128xi32, #tpu.memory_space<vmem>>) target_semaphore(%arg14 : memref<!tpu.dma_semaphore, #tpu.memory_space<semaphore_mem>>)
      %dma_start3A_24 = arith.constant 0 : i32
      %dma_start3A_25 = arith.constant 0 : i32
      %dma_start3A_26 = tpu.memref_slice %arg2[%dma_start3A_24, %dma_start3A_25] : memref<10000x128xf32, #tpu.memory_space<hbm>> -> memref<10000x128xf32, #tpu.memory_space<hbm>>
      tpu.enqueue_indirect_dma source(%dma_start3A_26 : memref<10000x128xf32, #tpu.memory_space<hbm>>) target(%arg11 : memref<128x128xf32, #tpu.memory_space<vmem>>) offsets(%arg8 : memref<128xi32, #tpu.memory_space<vmem>>) semaphore(%arg13 : memref<!tpu.dma_semaphore, #tpu.memory_space<semaphore_mem>>)
      %mul3A_27 = arith.constant 128 : i32
      %mul3A_28 = arith.muli %scan3A_16, %mul3A_27 : i32
      %add3A_29 = arith.addi %mul3A_6, %mul3A_28 : i32
      %dma_wait3A = tpu.memref_slice %arg4[%add3A_29] : memref<327680xi32, #tpu.memory_space<hbm>> -> memref<128xi32, #tpu.memory_space<hbm>>
      %dma_wait3A_30 = tpu.memref_slice %arg4[%add3A_29] : memref<327680xi32, #tpu.memory_space<hbm>> -> memref<128xi32, #tpu.memory_space<hbm>>
      tpu.wait_dma2 semaphore(%arg14 : memref<!tpu.dma_semaphore, #tpu.memory_space<semaphore_mem>>) src(%dma_wait3A_30 : memref<128xi32, #tpu.memory_space<hbm>>) dst(%arg9 : memref<128xi32, #tpu.memory_space<vmem>>)
      %dma_wait3A_31 = arith.constant 0 : i32
      %dma_wait3A_32 = arith.constant 0 : i32
      %dma_wait3A_33 = tpu.memref_slice %arg2[%dma_wait3A_31, %dma_wait3A_32] : memref<10000x128xf32, #tpu.memory_space<hbm>> -> memref<10000x128xf32, #tpu.memory_space<hbm>>
      tpu.wait_indirect_dma semaphore(%arg13 : memref<!tpu.dma_semaphore, #tpu.memory_space<semaphore_mem>>) src(%dma_wait3A_33 : memref<10000x128xf32, #tpu.memory_space<hbm>>) dst(%arg11 : memref<128x128xf32, #tpu.memory_space<vmem>>)
      "tpu.region"() ({
        %run_scoped3A = tpu.sem_alloc : memref<!tpu.dma_semaphore, #tpu.memory_space<semaphore_mem>>
        %dma_start3A_34 = arith.constant 0 : i32
        %dma_start3A_35 = arith.constant 0 : i32
        %dma_start3A_36 = tpu.memref_slice %arg7[%dma_start3A_34, %dma_start3A_35] : memref<10112x128xf32, #tpu.memory_space<vmem_shared>> -> memref<10112x128xf32, #tpu.memory_space<vmem_shared>>
        tpu.enqueue_indirect_dma source(%arg11 : memref<128x128xf32, #tpu.memory_space<vmem>>) target(%dma_start3A_36 : memref<10112x128xf32, #tpu.memory_space<vmem_shared>>) offsets(%arg9 : memref<128xi32, #tpu.memory_space<vmem>>) semaphore(%run_scoped3A : memref<!tpu.dma_semaphore, #tpu.memory_space<semaphore_mem>>) {add = true}
        %dma_wait3A_37 = arith.constant 0 : i32
        %dma_wait3A_38 = arith.constant 0 : i32
        %dma_wait3A_39 = tpu.memref_slice %arg7[%dma_wait3A_37, %dma_wait3A_38] : memref<10112x128xf32, #tpu.memory_space<vmem_shared>> -> memref<10112x128xf32, #tpu.memory_space<vmem_shared>>
        tpu.wait_indirect_dma semaphore(%run_scoped3A : memref<!tpu.dma_semaphore, #tpu.memory_space<semaphore_mem>>) src(%arg11 : memref<128x128xf32, #tpu.memory_space<vmem>>) dst(%dma_wait3A_39 : memref<10112x128xf32, #tpu.memory_space<vmem_shared>>)
        tpu.yield
      }) : () -> ()
    }
    %scan3A_11 = arith.constant 80 : i32
    %barrier3A_12 = arith.constant 0 : index
    tpu.barrier barrier_id(%barrier3A_12)
    %mul3A_13 = arith.constant 10112 : i32
    %mul3A_14 = arith.muli %arg0, %mul3A_13 : i32
    %add3A_15 = arith.addi %mul3A_14, %mul3A_2 : i32
    "tpu.region"() ({
      %run_scoped3A = tpu.sem_alloc : memref<!tpu.dma_semaphore, #tpu.memory_space<semaphore_mem>>
      %dma_start3A = arith.constant 0 : i32
      %dma_start3A_16 = tpu.memref_slice %arg6[%add3A_15, %dma_start3A] : memref<20224x128xf32, #tpu.memory_space<hbm>> -> memref<632x128xf32, #tpu.memory_space<hbm>>
      %dma_start3A_17 = arith.constant 0 : i32
      %dma_start3A_18 = tpu.memref_slice %arg7[%mul3A_2, %dma_start3A_17] : memref<10112x128xf32, #tpu.memory_space<vmem_shared>> -> memref<632x128xf32, #tpu.memory_space<vmem_shared>>
      tpu.enqueue_dma source(%dma_start3A_18 : memref<632x128xf32, #tpu.memory_space<vmem_shared>>) target(%dma_start3A_16 : memref<632x128xf32, #tpu.memory_space<hbm>>) target_semaphore(%run_scoped3A : memref<!tpu.dma_semaphore, #tpu.memory_space<semaphore_mem>>)
      %dma_wait3A = arith.constant 0 : i32
      %dma_wait3A_19 = tpu.memref_slice %arg6[%add3A_15, %dma_wait3A] : memref<20224x128xf32, #tpu.memory_space<hbm>> -> memref<632x128xf32, #tpu.memory_space<hbm>>
      %dma_wait3A_20 = arith.constant 0 : i32
      %dma_wait3A_21 = tpu.memref_slice %arg7[%mul3A_2, %dma_wait3A_20] : memref<10112x128xf32, #tpu.memory_space<vmem_shared>> -> memref<632x128xf32, #tpu.memory_space<vmem_shared>>
      tpu.wait_dma2 semaphore(%run_scoped3A : memref<!tpu.dma_semaphore, #tpu.memory_space<semaphore_mem>>) src(%dma_wait3A_21 : memref<632x128xf32, #tpu.memory_space<vmem_shared>>) dst(%dma_wait3A_19 : memref<632x128xf32, #tpu.memory_space<hbm>>)
      tpu.yield
    }) : () -> ()
    return
  }
}

#map = affine_map<(d0, d1) -> (0, 0)>
#map1 = affine_map<(d0, d1) -> (0)>
module attributes {stable_mosaic.version = 14 : i64} {
  func.func @agg(%arg0: i32, %arg1: i32, %arg2: memref<10000x128xf32, #tpu.memory_space<hbm>>, %arg3: memref<327680xi32, #tpu.memory_space<hbm>>, %arg4: memref<327680xi32, #tpu.memory_space<hbm>>, %arg5: memref<10112x128xf32, #tpu.memory_space<hbm>>, %arg6: memref<20224x128xf32, #tpu.memory_space<hbm>>, %arg7: memref<10112x128xf32, #tpu.memory_space<vmem_shared>>, %arg8: memref<128xi32, #tpu.memory_space<vmem>>, %arg9: memref<128xi32, #tpu.memory_space<vmem>>, %arg10: memref<128xi32, #tpu.memory_space<vmem>>, %arg11: memref<128x128xf32, #tpu.memory_space<vmem>>, %arg12: memref<128x128xf32, #tpu.memory_space<vmem>>, %arg13: memref<!tpu.dma_semaphore, #tpu.memory_space<semaphore_mem>>, %arg14: memref<!tpu.dma_semaphore, #tpu.memory_space<semaphore_mem>>) attributes {dimension_semantics = [#tpu.dimension_semantics<core_parallel>, #tpu.dimension_semantics<subcore_parallel>], iteration_bounds = array<i64: 2, 16>, scalar_prefetch = 0 : i64, scratch_operands = 8 : i64, tpu.core_type = #tpu.core_type<sc_vector_subcore>, window_params = [{transform_indices = #map}, {transform_indices = #map1}, {transform_indices = #map1}, {transform_indices = #map}, {transform_indices = #map}]} {
    %mul3A = arith.constant 16 : i32
    %mul3A_0 = arith.muli %arg0, %mul3A : i32
    %add3A = arith.addi %mul3A_0, %arg1 : i32
    %mul3A_1 = arith.constant 632 : i32
    %mul3A_2 = arith.muli %arg1, %mul3A_1 : i32
    "tpu.region"() ({
      %run_scoped3A = tpu.sem_alloc : memref<!tpu.dma_semaphore, #tpu.memory_space<semaphore_mem>>
      %dma_start3A = arith.constant 0 : i32
      %dma_start3A_16 = tpu.memref_slice %arg7[%mul3A_2, %dma_start3A] : memref<10112x128xf32, #tpu.memory_space<vmem_shared>> -> memref<632x128xf32, #tpu.memory_space<vmem_shared>>
      %dma_start3A_17 = arith.constant 0 : i32
      %dma_start3A_18 = tpu.memref_slice %arg5[%mul3A_2, %dma_start3A_17] : memref<10112x128xf32, #tpu.memory_space<hbm>> -> memref<632x128xf32, #tpu.memory_space<hbm>>
      tpu.enqueue_dma source(%dma_start3A_18 : memref<632x128xf32, #tpu.memory_space<hbm>>) target(%dma_start3A_16 : memref<632x128xf32, #tpu.memory_space<vmem_shared>>) target_semaphore(%run_scoped3A : memref<!tpu.dma_semaphore, #tpu.memory_space<semaphore_mem>>)
      %dma_wait3A = arith.constant 0 : i32
      %dma_wait3A_19 = tpu.memref_slice %arg7[%mul3A_2, %dma_wait3A] : memref<10112x128xf32, #tpu.memory_space<vmem_shared>> -> memref<632x128xf32, #tpu.memory_space<vmem_shared>>
      %dma_wait3A_20 = arith.constant 0 : i32
      %dma_wait3A_21 = tpu.memref_slice %arg5[%mul3A_2, %dma_wait3A_20] : memref<10112x128xf32, #tpu.memory_space<hbm>> -> memref<632x128xf32, #tpu.memory_space<hbm>>
      tpu.wait_dma2 semaphore(%run_scoped3A : memref<!tpu.dma_semaphore, #tpu.memory_space<semaphore_mem>>) src(%dma_wait3A_21 : memref<632x128xf32, #tpu.memory_space<hbm>>) dst(%dma_wait3A_19 : memref<632x128xf32, #tpu.memory_space<vmem_shared>>)
      tpu.yield
    }) : () -> ()
    %barrier3A = arith.constant 0 : index
    tpu.barrier barrier_id(%barrier3A)
    %mul3A_3 = arith.constant 80 : i32
    %mul3A_4 = arith.muli %add3A, %mul3A_3 : i32
    %mul3A_5 = arith.constant 128 : i32
    %mul3A_6 = arith.muli %mul3A_4, %mul3A_5 : i32
    %scan3A = arith.constant 0 : i32
    %scan3A_7 = arith.constant 0 : i32
    %scan3A_8 = arith.constant 80 : i32
    %scan3A_9 = arith.addi %scan3A_7, %scan3A_8 : i32
    %scan3A_10 = arith.constant 1 : i32
    scf.for %scan3A_16 = %scan3A_7 to %scan3A_9 step %scan3A_10  : i32 {
      %mul3A_17 = arith.constant 128 : i32
      %mul3A_18 = arith.muli %scan3A_16, %mul3A_17 : i32
      %add3A_19 = arith.addi %mul3A_6, %mul3A_18 : i32
      "tpu.region"() ({
        %run_scoped3A = tpu.sem_alloc : memref<!tpu.dma_semaphore, #tpu.memory_space<semaphore_mem>>
        %dma_start3A_34 = tpu.memref_slice %arg3[%add3A_19] : memref<327680xi32, #tpu.memory_space<hbm>> -> memref<128xi32, #tpu.memory_space<hbm>>
        %dma_start3A_35 = tpu.memref_slice %arg3[%add3A_19] : memref<327680xi32, #tpu.memory_space<hbm>> -> memref<128xi32, #tpu.memory_space<hbm>>
        tpu.enqueue_dma source(%dma_start3A_35 : memref<128xi32, #tpu.memory_space<hbm>>) target(%arg8 : memref<128xi32, #tpu.memory_space<vmem>>) target_semaphore(%run_scoped3A : memref<!tpu.dma_semaphore, #tpu.memory_space<semaphore_mem>>)
        %dma_wait3A_36 = tpu.memref_slice %arg3[%add3A_19] : memref<327680xi32, #tpu.memory_space<hbm>> -> memref<128xi32, #tpu.memory_space<hbm>>
        %dma_wait3A_37 = tpu.memref_slice %arg3[%add3A_19] : memref<327680xi32, #tpu.memory_space<hbm>> -> memref<128xi32, #tpu.memory_space<hbm>>
        tpu.wait_dma2 semaphore(%run_scoped3A : memref<!tpu.dma_semaphore, #tpu.memory_space<semaphore_mem>>) src(%dma_wait3A_37 : memref<128xi32, #tpu.memory_space<hbm>>) dst(%arg8 : memref<128xi32, #tpu.memory_space<vmem>>)
        tpu.yield
      }) : () -> ()
      %mul3A_20 = arith.constant 128 : i32
      %mul3A_21 = arith.muli %scan3A_16, %mul3A_20 : i32
      %add3A_22 = arith.addi %mul3A_6, %mul3A_21 : i32
      %dma_start3A = tpu.memref_slice %arg4[%add3A_22] : memref<327680xi32, #tpu.memory_space<hbm>> -> memref<128xi32, #tpu.memory_space<hbm>>
      %dma_start3A_23 = tpu.memref_slice %arg4[%add3A_22] : memref<327680xi32, #tpu.memory_space<hbm>> -> memref<128xi32, #tpu.memory_space<hbm>>
      tpu.enqueue_dma source(%dma_start3A_23 : memref<128xi32, #tpu.memory_space<hbm>>) target(%arg9 : memref<128xi32, #tpu.memory_space<vmem>>) target_semaphore(%arg14 : memref<!tpu.dma_semaphore, #tpu.memory_space<semaphore_mem>>)
      %dma_start3A_24 = arith.constant 0 : i32
      %dma_start3A_25 = arith.constant 0 : i32
      %dma_start3A_26 = tpu.memref_slice %arg2[%dma_start3A_24, %dma_start3A_25] : memref<10000x128xf32, #tpu.memory_space<hbm>> -> memref<10000x128xf32, #tpu.memory_space<hbm>>
      tpu.enqueue_indirect_dma source(%dma_start3A_26 : memref<10000x128xf32, #tpu.memory_space<hbm>>) target(%arg11 : memref<128x128xf32, #tpu.memory_space<vmem>>) offsets(%arg8 : memref<128xi32, #tpu.memory_space<vmem>>) semaphore(%arg13 : memref<!tpu.dma_semaphore, #tpu.memory_space<semaphore_mem>>)
      %mul3A_27 = arith.constant 128 : i32
      %mul3A_28 = arith.muli %scan3A_16, %mul3A_27 : i32
      %add3A_29 = arith.addi %mul3A_6, %mul3A_28 : i32
      %dma_wait3A = tpu.memref_slice %arg4[%add3A_29] : memref<327680xi32, #tpu.memory_space<hbm>> -> memref<128xi32, #tpu.memory_space<hbm>>
      %dma_wait3A_30 = tpu.memref_slice %arg4[%add3A_29] : memref<327680xi32, #tpu.memory_space<hbm>> -> memref<128xi32, #tpu.memory_space<hbm>>
      tpu.wait_dma2 semaphore(%arg14 : memref<!tpu.dma_semaphore, #tpu.memory_space<semaphore_mem>>) src(%dma_wait3A_30 : memref<128xi32, #tpu.memory_space<hbm>>) dst(%arg9 : memref<128xi32, #tpu.memory_space<vmem>>)
      %dma_wait3A_31 = arith.constant 0 : i32
      %dma_wait3A_32 = arith.constant 0 : i32
      %dma_wait3A_33 = tpu.memref_slice %arg2[%dma_wait3A_31, %dma_wait3A_32] : memref<10000x128xf32, #tpu.memory_space<hbm>> -> memref<10000x128xf32, #tpu.memory_space<hbm>>
      tpu.wait_indirect_dma semaphore(%arg13 : memref<!tpu.dma_semaphore, #tpu.memory_space<semaphore_mem>>) src(%dma_wait3A_33 : memref<10000x128xf32, #tpu.memory_space<hbm>>) dst(%arg11 : memref<128x128xf32, #tpu.memory_space<vmem>>)
      "tpu.region"() ({
        %run_scoped3A = tpu.sem_alloc : memref<!tpu.dma_semaphore, #tpu.memory_space<semaphore_mem>>
        %dma_start3A_34 = arith.constant 0 : i32
        %dma_start3A_35 = arith.constant 0 : i32
        %dma_start3A_36 = tpu.memref_slice %arg7[%dma_start3A_34, %dma_start3A_35] : memref<10112x128xf32, #tpu.memory_space<vmem_shared>> -> memref<10112x128xf32, #tpu.memory_space<vmem_shared>>
        tpu.enqueue_indirect_dma source(%arg11 : memref<128x128xf32, #tpu.memory_space<vmem>>) target(%dma_start3A_36 : memref<10112x128xf32, #tpu.memory_space<vmem_shared>>) offsets(%arg9 : memref<128xi32, #tpu.memory_space<vmem>>) semaphore(%run_scoped3A : memref<!tpu.dma_semaphore, #tpu.memory_space<semaphore_mem>>) {add = true}
        %dma_wait3A_37 = arith.constant 0 : i32
        %dma_wait3A_38 = arith.constant 0 : i32
        %dma_wait3A_39 = tpu.memref_slice %arg7[%dma_wait3A_37, %dma_wait3A_38] : memref<10112x128xf32, #tpu.memory_space<vmem_shared>> -> memref<10112x128xf32, #tpu.memory_space<vmem_shared>>
        tpu.wait_indirect_dma semaphore(%run_scoped3A : memref<!tpu.dma_semaphore, #tpu.memory_space<semaphore_mem>>) src(%arg11 : memref<128x128xf32, #tpu.memory_space<vmem>>) dst(%dma_wait3A_39 : memref<10112x128xf32, #tpu.memory_space<vmem_shared>>)
        tpu.yield
      }) : () -> ()
    }
    %scan3A_11 = arith.constant 80 : i32
    %barrier3A_12 = arith.constant 0 : index
    tpu.barrier barrier_id(%barrier3A_12)
    %mul3A_13 = arith.constant 10112 : i32
    %mul3A_14 = arith.muli %arg0, %mul3A_13 : i32
    %add3A_15 = arith.addi %mul3A_14, %mul3A_2 : i32
    "tpu.region"() ({
      %run_scoped3A = tpu.sem_alloc : memref<!tpu.dma_semaphore, #tpu.memory_space<semaphore_mem>>
      %dma_start3A = arith.constant 0 : i32
      %dma_start3A_16 = tpu.memref_slice %arg6[%add3A_15, %dma_start3A] : memref<20224x128xf32, #tpu.memory_space<hbm>> -> memref<632x128xf32, #tpu.memory_space<hbm>>
      %dma_start3A_17 = arith.constant 0 : i32
      %dma_start3A_18 = tpu.memref_slice %arg7[%mul3A_2, %dma_start3A_17] : memref<10112x128xf32, #tpu.memory_space<vmem_shared>> -> memref<632x128xf32, #tpu.memory_space<vmem_shared>>
      tpu.enqueue_dma source(%dma_start3A_18 : memref<632x128xf32, #tpu.memory_space<vmem_shared>>) target(%dma_start3A_16 : memref<632x128xf32, #tpu.memory_space<hbm>>) target_semaphore(%run_scoped3A : memref<!tpu.dma_semaphore, #tpu.memory_space<semaphore_mem>>)
      %dma_wait3A = arith.constant 0 : i32
      %dma_wait3A_19 = tpu.memref_slice %arg6[%add3A_15, %dma_wait3A] : memref<20224x128xf32, #tpu.memory_space<hbm>> -> memref<632x128xf32, #tpu.memory_space<hbm>>
      %dma_wait3A_20 = arith.constant 0 : i32
      %dma_wait3A_21 = tpu.memref_slice %arg7[%mul3A_2, %dma_wait3A_20] : memref<10112x128xf32, #tpu.memory_space<vmem_shared>> -> memref<632x128xf32, #tpu.memory_space<vmem_shared>>
      tpu.wait_dma2 semaphore(%run_scoped3A : memref<!tpu.dma_semaphore, #tpu.memory_space<semaphore_mem>>) src(%dma_wait3A_21 : memref<632x128xf32, #tpu.memory_space<vmem_shared>>) dst(%dma_wait3A_19 : memref<632x128xf32, #tpu.memory_space<hbm>>)
      tpu.yield
    }) : () -> ()
    return
  }
}

#map = affine_map<(d0, d1) -> (0, 0)>
#map1 = affine_map<(d0, d1) -> (0)>
module attributes {stable_mosaic.version = 14 : i64} {
  func.func @agg(%arg0: i32, %arg1: i32, %arg2: memref<10000x128xf32, #tpu.memory_space<hbm>>, %arg3: memref<327680xi32, #tpu.memory_space<hbm>>, %arg4: memref<327680xi32, #tpu.memory_space<hbm>>, %arg5: memref<10112x128xf32, #tpu.memory_space<hbm>>, %arg6: memref<20224x128xf32, #tpu.memory_space<hbm>>, %arg7: memref<10112x128xf32, #tpu.memory_space<vmem_shared>>, %arg8: memref<128xi32, #tpu.memory_space<vmem>>, %arg9: memref<128xi32, #tpu.memory_space<vmem>>, %arg10: memref<128xi32, #tpu.memory_space<vmem>>, %arg11: memref<128x128xf32, #tpu.memory_space<vmem>>, %arg12: memref<128x128xf32, #tpu.memory_space<vmem>>, %arg13: memref<!tpu.dma_semaphore, #tpu.memory_space<semaphore_mem>>, %arg14: memref<!tpu.dma_semaphore, #tpu.memory_space<semaphore_mem>>) attributes {dimension_semantics = [#tpu.dimension_semantics<core_parallel>, #tpu.dimension_semantics<subcore_parallel>], iteration_bounds = array<i64: 2, 16>, scalar_prefetch = 0 : i64, scratch_operands = 8 : i64, tpu.core_type = #tpu.core_type<sc_vector_subcore>, window_params = [{transform_indices = #map}, {transform_indices = #map1}, {transform_indices = #map1}, {transform_indices = #map}, {transform_indices = #map}]} {
    %mul3A = arith.constant 16 : i32
    %mul3A_0 = arith.muli %arg0, %mul3A : i32
    %add3A = arith.addi %mul3A_0, %arg1 : i32
    %mul3A_1 = arith.constant 632 : i32
    %mul3A_2 = arith.muli %arg1, %mul3A_1 : i32
    "tpu.region"() ({
      %run_scoped3A = tpu.sem_alloc : memref<!tpu.dma_semaphore, #tpu.memory_space<semaphore_mem>>
      %dma_start3A = arith.constant 0 : i32
      %dma_start3A_16 = tpu.memref_slice %arg7[%mul3A_2, %dma_start3A] : memref<10112x128xf32, #tpu.memory_space<vmem_shared>> -> memref<632x128xf32, #tpu.memory_space<vmem_shared>>
      %dma_start3A_17 = arith.constant 0 : i32
      %dma_start3A_18 = tpu.memref_slice %arg5[%mul3A_2, %dma_start3A_17] : memref<10112x128xf32, #tpu.memory_space<hbm>> -> memref<632x128xf32, #tpu.memory_space<hbm>>
      tpu.enqueue_dma source(%dma_start3A_18 : memref<632x128xf32, #tpu.memory_space<hbm>>) target(%dma_start3A_16 : memref<632x128xf32, #tpu.memory_space<vmem_shared>>) target_semaphore(%run_scoped3A : memref<!tpu.dma_semaphore, #tpu.memory_space<semaphore_mem>>)
      %dma_wait3A = arith.constant 0 : i32
      %dma_wait3A_19 = tpu.memref_slice %arg7[%mul3A_2, %dma_wait3A] : memref<10112x128xf32, #tpu.memory_space<vmem_shared>> -> memref<632x128xf32, #tpu.memory_space<vmem_shared>>
      %dma_wait3A_20 = arith.constant 0 : i32
      %dma_wait3A_21 = tpu.memref_slice %arg5[%mul3A_2, %dma_wait3A_20] : memref<10112x128xf32, #tpu.memory_space<hbm>> -> memref<632x128xf32, #tpu.memory_space<hbm>>
      tpu.wait_dma2 semaphore(%run_scoped3A : memref<!tpu.dma_semaphore, #tpu.memory_space<semaphore_mem>>) src(%dma_wait3A_21 : memref<632x128xf32, #tpu.memory_space<hbm>>) dst(%dma_wait3A_19 : memref<632x128xf32, #tpu.memory_space<vmem_shared>>)
      tpu.yield
    }) : () -> ()
    %barrier3A = arith.constant 0 : index
    tpu.barrier barrier_id(%barrier3A)
    %mul3A_3 = arith.constant 80 : i32
    %mul3A_4 = arith.muli %add3A, %mul3A_3 : i32
    %mul3A_5 = arith.constant 128 : i32
    %mul3A_6 = arith.muli %mul3A_4, %mul3A_5 : i32
    %scan3A = arith.constant 0 : i32
    %scan3A_7 = arith.constant 0 : i32
    %scan3A_8 = arith.constant 80 : i32
    %scan3A_9 = arith.addi %scan3A_7, %scan3A_8 : i32
    %scan3A_10 = arith.constant 1 : i32
    scf.for %scan3A_16 = %scan3A_7 to %scan3A_9 step %scan3A_10  : i32 {
      %mul3A_17 = arith.constant 128 : i32
      %mul3A_18 = arith.muli %scan3A_16, %mul3A_17 : i32
      %add3A_19 = arith.addi %mul3A_6, %mul3A_18 : i32
      "tpu.region"() ({
        %run_scoped3A = tpu.sem_alloc : memref<!tpu.dma_semaphore, #tpu.memory_space<semaphore_mem>>
        %dma_start3A_34 = tpu.memref_slice %arg3[%add3A_19] : memref<327680xi32, #tpu.memory_space<hbm>> -> memref<128xi32, #tpu.memory_space<hbm>>
        %dma_start3A_35 = tpu.memref_slice %arg3[%add3A_19] : memref<327680xi32, #tpu.memory_space<hbm>> -> memref<128xi32, #tpu.memory_space<hbm>>
        tpu.enqueue_dma source(%dma_start3A_35 : memref<128xi32, #tpu.memory_space<hbm>>) target(%arg8 : memref<128xi32, #tpu.memory_space<vmem>>) target_semaphore(%run_scoped3A : memref<!tpu.dma_semaphore, #tpu.memory_space<semaphore_mem>>)
        %dma_wait3A_36 = tpu.memref_slice %arg3[%add3A_19] : memref<327680xi32, #tpu.memory_space<hbm>> -> memref<128xi32, #tpu.memory_space<hbm>>
        %dma_wait3A_37 = tpu.memref_slice %arg3[%add3A_19] : memref<327680xi32, #tpu.memory_space<hbm>> -> memref<128xi32, #tpu.memory_space<hbm>>
        tpu.wait_dma2 semaphore(%run_scoped3A : memref<!tpu.dma_semaphore, #tpu.memory_space<semaphore_mem>>) src(%dma_wait3A_37 : memref<128xi32, #tpu.memory_space<hbm>>) dst(%arg8 : memref<128xi32, #tpu.memory_space<vmem>>)
        tpu.yield
      }) : () -> ()
      %mul3A_20 = arith.constant 128 : i32
      %mul3A_21 = arith.muli %scan3A_16, %mul3A_20 : i32
      %add3A_22 = arith.addi %mul3A_6, %mul3A_21 : i32
      %dma_start3A = tpu.memref_slice %arg4[%add3A_22] : memref<327680xi32, #tpu.memory_space<hbm>> -> memref<128xi32, #tpu.memory_space<hbm>>
      %dma_start3A_23 = tpu.memref_slice %arg4[%add3A_22] : memref<327680xi32, #tpu.memory_space<hbm>> -> memref<128xi32, #tpu.memory_space<hbm>>
      tpu.enqueue_dma source(%dma_start3A_23 : memref<128xi32, #tpu.memory_space<hbm>>) target(%arg9 : memref<128xi32, #tpu.memory_space<vmem>>) target_semaphore(%arg14 : memref<!tpu.dma_semaphore, #tpu.memory_space<semaphore_mem>>)
      %dma_start3A_24 = arith.constant 0 : i32
      %dma_start3A_25 = arith.constant 0 : i32
      %dma_start3A_26 = tpu.memref_slice %arg2[%dma_start3A_24, %dma_start3A_25] : memref<10000x128xf32, #tpu.memory_space<hbm>> -> memref<10000x128xf32, #tpu.memory_space<hbm>>
      tpu.enqueue_indirect_dma source(%dma_start3A_26 : memref<10000x128xf32, #tpu.memory_space<hbm>>) target(%arg11 : memref<128x128xf32, #tpu.memory_space<vmem>>) offsets(%arg8 : memref<128xi32, #tpu.memory_space<vmem>>) semaphore(%arg13 : memref<!tpu.dma_semaphore, #tpu.memory_space<semaphore_mem>>)
      %mul3A_27 = arith.constant 128 : i32
      %mul3A_28 = arith.muli %scan3A_16, %mul3A_27 : i32
      %add3A_29 = arith.addi %mul3A_6, %mul3A_28 : i32
      %dma_wait3A = tpu.memref_slice %arg4[%add3A_29] : memref<327680xi32, #tpu.memory_space<hbm>> -> memref<128xi32, #tpu.memory_space<hbm>>
      %dma_wait3A_30 = tpu.memref_slice %arg4[%add3A_29] : memref<327680xi32, #tpu.memory_space<hbm>> -> memref<128xi32, #tpu.memory_space<hbm>>
      tpu.wait_dma2 semaphore(%arg14 : memref<!tpu.dma_semaphore, #tpu.memory_space<semaphore_mem>>) src(%dma_wait3A_30 : memref<128xi32, #tpu.memory_space<hbm>>) dst(%arg9 : memref<128xi32, #tpu.memory_space<vmem>>)
      %dma_wait3A_31 = arith.constant 0 : i32
      %dma_wait3A_32 = arith.constant 0 : i32
      %dma_wait3A_33 = tpu.memref_slice %arg2[%dma_wait3A_31, %dma_wait3A_32] : memref<10000x128xf32, #tpu.memory_space<hbm>> -> memref<10000x128xf32, #tpu.memory_space<hbm>>
      tpu.wait_indirect_dma semaphore(%arg13 : memref<!tpu.dma_semaphore, #tpu.memory_space<semaphore_mem>>) src(%dma_wait3A_33 : memref<10000x128xf32, #tpu.memory_space<hbm>>) dst(%arg11 : memref<128x128xf32, #tpu.memory_space<vmem>>)
      "tpu.region"() ({
        %run_scoped3A = tpu.sem_alloc : memref<!tpu.dma_semaphore, #tpu.memory_space<semaphore_mem>>
        %dma_start3A_34 = arith.constant 0 : i32
        %dma_start3A_35 = arith.constant 0 : i32
        %dma_start3A_36 = tpu.memref_slice %arg7[%dma_start3A_34, %dma_start3A_35] : memref<10112x128xf32, #tpu.memory_space<vmem_shared>> -> memref<10112x128xf32, #tpu.memory_space<vmem_shared>>
        tpu.enqueue_indirect_dma source(%arg11 : memref<128x128xf32, #tpu.memory_space<vmem>>) target(%dma_start3A_36 : memref<10112x128xf32, #tpu.memory_space<vmem_shared>>) offsets(%arg9 : memref<128xi32, #tpu.memory_space<vmem>>) semaphore(%run_scoped3A : memref<!tpu.dma_semaphore, #tpu.memory_space<semaphore_mem>>) {add = true}
        %dma_wait3A_37 = arith.constant 0 : i32
        %dma_wait3A_38 = arith.constant 0 : i32
        %dma_wait3A_39 = tpu.memref_slice %arg7[%dma_wait3A_37, %dma_wait3A_38] : memref<10112x128xf32, #tpu.memory_space<vmem_shared>> -> memref<10112x128xf32, #tpu.memory_space<vmem_shared>>
        tpu.wait_indirect_dma semaphore(%run_scoped3A : memref<!tpu.dma_semaphore, #tpu.memory_space<semaphore_mem>>) src(%arg11 : memref<128x128xf32, #tpu.memory_space<vmem>>) dst(%dma_wait3A_39 : memref<10112x128xf32, #tpu.memory_space<vmem_shared>>)
        tpu.yield
      }) : () -> ()
    }
    %scan3A_11 = arith.constant 80 : i32
    %barrier3A_12 = arith.constant 0 : index
    tpu.barrier barrier_id(%barrier3A_12)
    %mul3A_13 = arith.constant 10112 : i32
    %mul3A_14 = arith.muli %arg0, %mul3A_13 : i32
    %add3A_15 = arith.addi %mul3A_14, %mul3A_2 : i32
    "tpu.region"() ({
      %run_scoped3A = tpu.sem_alloc : memref<!tpu.dma_semaphore, #tpu.memory_space<semaphore_mem>>
      %dma_start3A = arith.constant 0 : i32
      %dma_start3A_16 = tpu.memref_slice %arg6[%add3A_15, %dma_start3A] : memref<20224x128xf32, #tpu.memory_space<hbm>> -> memref<632x128xf32, #tpu.memory_space<hbm>>
      %dma_start3A_17 = arith.constant 0 : i32
      %dma_start3A_18 = tpu.memref_slice %arg7[%mul3A_2, %dma_start3A_17] : memref<10112x128xf32, #tpu.memory_space<vmem_shared>> -> memref<632x128xf32, #tpu.memory_space<vmem_shared>>
      tpu.enqueue_dma source(%dma_start3A_18 : memref<632x128xf32, #tpu.memory_space<vmem_shared>>) target(%dma_start3A_16 : memref<632x128xf32, #tpu.memory_space<hbm>>) target_semaphore(%run_scoped3A : memref<!tpu.dma_semaphore, #tpu.memory_space<semaphore_mem>>)
      %dma_wait3A = arith.constant 0 : i32
      %dma_wait3A_19 = tpu.memref_slice %arg6[%add3A_15, %dma_wait3A] : memref<20224x128xf32, #tpu.memory_space<hbm>> -> memref<632x128xf32, #tpu.memory_space<hbm>>
      %dma_wait3A_20 = arith.constant 0 : i32
      %dma_wait3A_21 = tpu.memref_slice %arg7[%mul3A_2, %dma_wait3A_20] : memref<10112x128xf32, #tpu.memory_space<vmem_shared>> -> memref<632x128xf32, #tpu.memory_space<vmem_shared>>
      tpu.wait_dma2 semaphore(%run_scoped3A : memref<!tpu.dma_semaphore, #tpu.memory_space<semaphore_mem>>) src(%dma_wait3A_21 : memref<632x128xf32, #tpu.memory_space<vmem_shared>>) dst(%dma_wait3A_19 : memref<632x128xf32, #tpu.memory_space<hbm>>)
      tpu.yield
    }) : () -> ()
    return
  }
}

module attributes {stable_mosaic.version = 14 : i64} {
  func.func @_enc_body(%arg0: memref<10000x128xf32, #tpu.memory_space<vmem>>, %arg1: memref<128x128xf32, #tpu.memory_space<vmem>>, %arg2: memref<1x128xf32, #tpu.memory_space<vmem>>, %arg3: memref<128x128xf32, #tpu.memory_space<vmem>>, %arg4: memref<10000x128xf32, #tpu.memory_space<vmem>>, %arg5: memref<10000x128xf32, #tpu.memory_space<vmem>>) attributes {dimension_semantics = [], scalar_prefetch = 0 : i64, scratch_operands = 0 : i64, tpu.core_type = #tpu.core_type<tc>} {
    %get3A = arith.constant 0 : index
    %get3A_0 = arith.constant 0 : index
    %get3A_1 = vector.load %arg0[%get3A, %get3A_0] : memref<10000x128xf32, #tpu.memory_space<vmem>>, vector<10000x128xf32>
    %get3A_2 = arith.constant 0 : index
    %get3A_3 = arith.constant 0 : index
    %get3A_4 = vector.load %arg1[%get3A_2, %get3A_3] : memref<128x128xf32, #tpu.memory_space<vmem>>, vector<128x128xf32>
    %dot_general3A = arith.constant dense<0.000000e+00> : vector<10000x128xf32>
    %dot_general3A_5 = tpu.matmul %get3A_1, %get3A_4, %dot_general3A {dimension_numbers = #tpu.dot_dimension_numbers<[1], [0], [0], [1], [0, 0, 1, 1], [], []>, transpose_lhs_hint = false} : vector<10000x128xf32>, vector<128x128xf32>, vector<10000x128xf32> -> vector<10000x128xf32>
    %get3A_6 = arith.constant 0 : index
    %get3A_7 = arith.constant 0 : index
    %get3A_8 = vector.load %arg2[%get3A_6, %get3A_7] : memref<1x128xf32, #tpu.memory_space<vmem>>, vector<1x128xf32>
    %add3A = vector.broadcast %get3A_8 : vector<1x128xf32> to vector<10000x128xf32>
    %add3A_9 = arith.addf %dot_general3A_5, %add3A : vector<10000x128xf32>
    %swap3A = arith.constant 0 : index
    %swap3A_10 = arith.constant 0 : index
    %swap3A_11 = vector.load %arg4[%swap3A, %swap3A_10] : memref<10000x128xf32, #tpu.memory_space<vmem>>, vector<10000x128xf32>
    tpu.vector_store %arg4[%swap3A, %swap3A_10], %add3A_9 {strides = array<i32>} : memref<10000x128xf32, #tpu.memory_space<vmem>>, vector<10000x128xf32>,
    %get3A_12 = arith.constant 0 : index
    %get3A_13 = arith.constant 0 : index
    %get3A_14 = vector.load %arg3[%get3A_12, %get3A_13] : memref<128x128xf32, #tpu.memory_space<vmem>>, vector<128x128xf32>
    %dot_general3A_15 = arith.constant dense<0.000000e+00> : vector<10000x128xf32>
    %dot_general3A_16 = tpu.matmul %add3A_9, %get3A_14, %dot_general3A_15 {dimension_numbers = #tpu.dot_dimension_numbers<[1], [0], [0], [1], [0, 0, 1, 1], [], []>, transpose_lhs_hint = false} : vector<10000x128xf32>, vector<128x128xf32>, vector<10000x128xf32> -> vector<10000x128xf32>
    %swap3A_17 = arith.constant 0 : index
    %swap3A_18 = arith.constant 0 : index
    %swap3A_19 = vector.load %arg5[%swap3A_17, %swap3A_18] : memref<10000x128xf32, #tpu.memory_space<vmem>>, vector<10000x128xf32>
    tpu.vector_store %arg5[%swap3A_17, %swap3A_18], %dot_general3A_16 {strides = array<i32>} : memref<10000x128xf32, #tpu.memory_space<vmem>>, vector<10000x128xf32>,
    return
  }
}

module attributes {stable_mosaic.version = 14 : i64} {
  func.func @_mid_body(%arg0: memref<10000x128xf32, #tpu.memory_space<vmem>>, %arg1: memref<20224x128xf32, #tpu.memory_space<vmem>>, %arg2: memref<128x128xf32, #tpu.memory_space<vmem>>, %arg3: memref<1x128xf32, #tpu.memory_space<vmem>>, %arg4: memref<128x128xf32, #tpu.memory_space<vmem>>, %arg5: memref<10000x128xf32, #tpu.memory_space<vmem>>, %arg6: memref<10000x128xf32, #tpu.memory_space<vmem>>) attributes {dimension_semantics = [], scalar_prefetch = 0 : i64, scratch_operands = 0 : i64, tpu.core_type = #tpu.core_type<tc>} {
    %get3A = arith.constant 0 : index
    %get3A_0 = arith.constant 0 : index
    %get3A_1 = vector.load %arg0[%get3A, %get3A_0] : memref<10000x128xf32, #tpu.memory_space<vmem>>, vector<10000x128xf32>
    %get3A_2 = arith.constant 0 : index
    %get3A_3 = arith.constant 0 : index
    %get3A_4 = vector.load %arg2[%get3A_2, %get3A_3] : memref<128x128xf32, #tpu.memory_space<vmem>>, vector<128x128xf32>
    %dot_general3A = arith.constant dense<0.000000e+00> : vector<10000x128xf32>
    %dot_general3A_5 = tpu.matmul %get3A_1, %get3A_4, %dot_general3A {dimension_numbers = #tpu.dot_dimension_numbers<[1], [0], [0], [1], [0, 0, 1, 1], [], []>, transpose_lhs_hint = false} : vector<10000x128xf32>, vector<128x128xf32>, vector<10000x128xf32> -> vector<10000x128xf32>
    %get3A_6 = arith.constant 0 : index
    %get3A_7 = arith.constant 0 : index
    %get3A_8 = vector.load %arg1[%get3A_6, %get3A_7] : memref<20224x128xf32, #tpu.memory_space<vmem>>, vector<10000x128xf32>
    %add3A = arith.addf %dot_general3A_5, %get3A_8 : vector<10000x128xf32>
    %get3A_9 = arith.constant 10112 : index
    %get3A_10 = arith.constant 0 : index
    %get3A_11 = vector.load %arg1[%get3A_9, %get3A_10] : memref<20224x128xf32, #tpu.memory_space<vmem>>, vector<10000x128xf32>
    %add3A_12 = arith.addf %add3A, %get3A_11 : vector<10000x128xf32>
    %get3A_13 = arith.constant 0 : index
    %get3A_14 = arith.constant 0 : index
    %get3A_15 = vector.load %arg3[%get3A_13, %get3A_14] : memref<1x128xf32, #tpu.memory_space<vmem>>, vector<1x128xf32>
    %add3A_16 = vector.broadcast %get3A_15 : vector<1x128xf32> to vector<10000x128xf32>
    %add3A_17 = arith.addf %add3A_12, %add3A_16 : vector<10000x128xf32>
    %max3A = arith.constant 0.000000e+00 : f32
    %max3A_18 = vector.broadcast %max3A : f32 to vector<10000x128xf32>
    %max3A_19 = arith.maximumf %add3A_17, %max3A_18 : vector<10000x128xf32>
    %swap3A = arith.constant 0 : index
    %swap3A_20 = arith.constant 0 : index
    %swap3A_21 = vector.load %arg5[%swap3A, %swap3A_20] : memref<10000x128xf32, #tpu.memory_space<vmem>>, vector<10000x128xf32>
    tpu.vector_store %arg5[%swap3A, %swap3A_20], %max3A_19 {strides = array<i32>} : memref<10000x128xf32, #tpu.memory_space<vmem>>, vector<10000x128xf32>,
    %get3A_22 = arith.constant 0 : index
    %get3A_23 = arith.constant 0 : index
    %get3A_24 = vector.load %arg4[%get3A_22, %get3A_23] : memref<128x128xf32, #tpu.memory_space<vmem>>, vector<128x128xf32>
    %dot_general3A_25 = arith.constant dense<0.000000e+00> : vector<10000x128xf32>
    %dot_general3A_26 = tpu.matmul %max3A_19, %get3A_24, %dot_general3A_25 {dimension_numbers = #tpu.dot_dimension_numbers<[1], [0], [0], [1], [0, 0, 1, 1], [], []>, transpose_lhs_hint = false} : vector<10000x128xf32>, vector<128x128xf32>, vector<10000x128xf32> -> vector<10000x128xf32>
    %swap3A_27 = arith.constant 0 : index
    %swap3A_28 = arith.constant 0 : index
    %swap3A_29 = vector.load %arg6[%swap3A_27, %swap3A_28] : memref<10000x128xf32, #tpu.memory_space<vmem>>, vector<10000x128xf32>
    tpu.vector_store %arg6[%swap3A_27, %swap3A_28], %dot_general3A_26 {strides = array<i32>} : memref<10000x128xf32, #tpu.memory_space<vmem>>, vector<10000x128xf32>,
    return
  }
}

module attributes {stable_mosaic.version = 14 : i64} {
  func.func @_fin_body(%arg0: memref<10000x128xf32, #tpu.memory_space<vmem>>, %arg1: memref<20224x128xf32, #tpu.memory_space<vmem>>, %arg2: memref<128x128xf32, #tpu.memory_space<vmem>>, %arg3: memref<1x128xf32, #tpu.memory_space<vmem>>, %arg4: memref<1x10000xi32, #tpu.memory_space<vmem>>, %arg5: memref<128x10xf32, #tpu.memory_space<vmem>>, %arg6: memref<1x10xf32, #tpu.memory_space<vmem>>, %arg7: memref<64x10xf32, #tpu.memory_space<vmem>>) attributes {dimension_semantics = [], scalar_prefetch = 0 : i64, scratch_operands = 0 : i64, tpu.core_type = #tpu.core_type<tc>} {
    %get3A = arith.constant 0 : index
    %get3A_0 = arith.constant 0 : index
    %get3A_1 = vector.load %arg0[%get3A, %get3A_0] : memref<10000x128xf32, #tpu.memory_space<vmem>>, vector<10000x128xf32>
    %get3A_2 = arith.constant 0 : index
    %get3A_3 = arith.constant 0 : index
    %get3A_4 = vector.load %arg2[%get3A_2, %get3A_3] : memref<128x128xf32, #tpu.memory_space<vmem>>, vector<128x128xf32>
    %dot_general3A = arith.constant dense<0.000000e+00> : vector<10000x128xf32>
    %dot_general3A_5 = tpu.matmul %get3A_1, %get3A_4, %dot_general3A {dimension_numbers = #tpu.dot_dimension_numbers<[1], [0], [0], [1], [0, 0, 1, 1], [], []>, transpose_lhs_hint = false} : vector<10000x128xf32>, vector<128x128xf32>, vector<10000x128xf32> -> vector<10000x128xf32>
    %get3A_6 = arith.constant 0 : index
    %get3A_7 = arith.constant 0 : index
    %get3A_8 = vector.load %arg1[%get3A_6, %get3A_7] : memref<20224x128xf32, #tpu.memory_space<vmem>>, vector<10000x128xf32>
    %add3A = arith.addf %dot_general3A_5, %get3A_8 : vector<10000x128xf32>
    %get3A_9 = arith.constant 10112 : index
    %get3A_10 = arith.constant 0 : index
    %get3A_11 = vector.load %arg1[%get3A_9, %get3A_10] : memref<20224x128xf32, #tpu.memory_space<vmem>>, vector<10000x128xf32>
    %add3A_12 = arith.addf %add3A, %get3A_11 : vector<10000x128xf32>
    %get3A_13 = arith.constant 0 : index
    %get3A_14 = arith.constant 0 : index
    %get3A_15 = vector.load %arg3[%get3A_13, %get3A_14] : memref<1x128xf32, #tpu.memory_space<vmem>>, vector<1x128xf32>
    %add3A_16 = vector.broadcast %get3A_15 : vector<1x128xf32> to vector<10000x128xf32>
    %add3A_17 = arith.addf %add3A_12, %add3A_16 : vector<10000x128xf32>
    %iota3A = tpu.iota {dimensions = array<i32: 0>} : vector<64x10000xi32>
    %get3A_18 = arith.constant 0 : index
    %get3A_19 = arith.constant 0 : index
    %get3A_20 = vector.load %arg4[%get3A_18, %get3A_19] : memref<1x10000xi32, #tpu.memory_space<vmem>>, vector<1x10000xi32>
    %eq3A = vector.broadcast %get3A_20 : vector<1x10000xi32> to vector<64x10000xi32>
    %eq3A_21 = arith.cmpi eq, %iota3A, %eq3A : vector<64x10000xi32>
    %convert_element_type3A = arith.extui %eq3A_21 : vector<64x10000xi1> to vector<64x10000xi32>
    %convert_element_type3A_22 = arith.sitofp %convert_element_type3A : vector<64x10000xi32> to vector<64x10000xf32>
    %dot_general3A_23 = arith.constant dense<0.000000e+00> : vector<64x128xf32>
    %dot_general3A_24 = tpu.matmul %convert_element_type3A_22, %add3A_17, %dot_general3A_23 {dimension_numbers = #tpu.dot_dimension_numbers<[1], [0], [0], [1], [0, 0, 1, 1], [], []>, transpose_lhs_hint = false} : vector<64x10000xf32>, vector<10000x128xf32>, vector<64x128xf32> -> vector<64x128xf32>
    %get3A_25 = arith.constant 0 : index
    %get3A_26 = arith.constant 0 : index
    %get3A_27 = vector.load %arg5[%get3A_25, %get3A_26] : memref<128x10xf32, #tpu.memory_space<vmem>>, vector<128x10xf32>
    %dot_general3A_28 = arith.constant dense<0.000000e+00> : vector<64x10xf32>
    %dot_general3A_29 = tpu.matmul %dot_general3A_24, %get3A_27, %dot_general3A_28 {dimension_numbers = #tpu.dot_dimension_numbers<[1], [0], [0], [1], [0, 0, 1, 1], [], []>, transpose_lhs_hint = false} : vector<64x128xf32>, vector<128x10xf32>, vector<64x10xf32> -> vector<64x10xf32>
    %get3A_30 = arith.constant 0 : index
    %get3A_31 = arith.constant 0 : index
    %get3A_32 = vector.load %arg6[%get3A_30, %get3A_31] : memref<1x10xf32, #tpu.memory_space<vmem>>, vector<1x10xf32>
    %add3A_33 = vector.broadcast %get3A_32 : vector<1x10xf32> to vector<64x10xf32>
    %add3A_34 = arith.addf %dot_general3A_29, %add3A_33 : vector<64x10xf32>
    %swap3A = arith.constant 0 : index
    %swap3A_35 = arith.constant 0 : index
    %swap3A_36 = vector.load %arg7[%swap3A, %swap3A_35] : memref<64x10xf32, #tpu.memory_space<vmem>>, vector<64x10xf32>
    tpu.vector_store %arg7[%swap3A, %swap3A_35], %add3A_34 {strides = array<i32>} : memref<64x10xf32, #tpu.memory_space<vmem>>, vector<64x10xf32>,
    return
  }
}

</mosaic_0001>

<sc_bundles>
// kernel: kernel.12.cloned.1.call-start
scs
__scs_entry_jumppad:
0x0: {  	(pc) =	sbr.rel $0x88, $3  }
0x1: {  	(tag) =	ssettag $0x0;
	lr =	simm.s32 $0x1  }
0x2: {  	[smem:$0x3F91] =	sst lr;
	_ =	strace $0xD0000000  }
0x3: {  	_ = 	snop  }
0x4: {  	_ = 	snop  }
0x5: {  	_ = 	snop  }
0x6: {  	_ = 	snop  }
0x7: {  	_ = 	snop  }
__scs_overlays_trampoline_lowered:
0x8: {  	[smem:$0x3FA0] =	sst s0  }
0x9: {  	[smem:$0x3FA1] =	sst s1  }
0xa: {  	[smem:$0x3FA2] =	sst s2  }
0xb: {  	[smem:$0x3FA3] =	sst s3  }
0xc: {  	[smem:$0x3FA4] =	sst s4  }
0xd: {  	[smem:$0x3FA5] =	sst s5  }
0xe: {  	[smem:$0x3FA6] =	sst s6  }
0xf: {  	[smem:$0x3FA7] =	sst s7  }
0x10: {  	[smem:$0x3FA8] =	sst s8  }
0x11: {  	[smem:$0x3FA9] =	sst s9;
	s0 =	simm.s32 @!p0 $0x0  }
0x12: {  	s1 =	sld [smem:$0x3F8F];
	s0 =	simm.s32 @p0 $0x1  }
0x13: {  	[smem:$0x3FAA] =	sst s0;
	s0 =	simm.s32 @!p1 $0x0  }
0x14: {  	s2 =	sld [smem:$0x3F8E];
	s0 =	simm.s32 @p1 $0x1  }
0x15: {  	[smem:$0x3FAB] =	sst s0;
	s0 =	simm.s32 @!p2 $0x0  }
0x16: {  	s3 =	sld [smem:$0x3FDB];
	s0 =	simm.s32 @p2 $0x1  }
0x17: {  	s4 =	simm.s32 $0x1BF5;
	[smem:$0x3FAD] =	sst s0  }
0x18: {  	s0 =	sld [smem:$0x3F90];
	_ =	swait.ge [sflag:s4], $0x0  }
0x19: {  	s7 =	sld [smem:$0x3F91]  }
0x1a: {  	s8 =	sadd.s32 $0xFFFFE003, lr  }
0x1b: {  	s9 =	sadd.s32 $0xFFFFFEF7, lr;
	s5 =	simm.s32 $0xFFFFFFFF;
	p2 =	slt.u32 s8, $0xFFFFF086  }
0x1c: {  	p1 =	slt.u32 s9, $0xF7A;
	s5 =	simm.s32 @!p2 $0x0  }
0x1d: {  	s5 =	simm.s32 @p1 $0x1;
	p0 =	seq.s32 s7, s2  }
0x1e: {  	s7 =	smul.u32 @!p0 $0xF7A, s2;
	p2 =	seq.s32 @!p0 s5, $0x0  }
0x1f: {  	s9 =	smul.u32 $0xF7A, s1;
	s8 =	simm.s32 @!p0 $0x1BF5;
	p2 =	por !p2, p0  }
0x20: {  	[sflag:s8] =	ssyncset.s32 @!p0 $0xFFFFF086;
	s6 =	sadd.s32 @!p0 s3, s7;
	s7 =	simm.s32 @!p0 $0x108  }
0x21: {  	s3 =	sadd.s32 s3, s9;
	s6 =	sadd.s32 @!p0 $0x88, s6;
	s7 =	simm.s32 @p2 $0x1082  }
0x22: {  	[simem:s7], [sflag:s8] =	dma.local @!p0 [hbm:s6], $0xF7A  }
0x23: {  	s9 =	sor.u32 $0xD0000000, s2;
	s6 =	simm.s32 $0x108;
	_ =	swait.ge @!p0 [sflag:s8], $0x0  }
0x24: {  	s3 =	sadd.s32 $0x88, s3;
	s6 =	simm.s32 @!p1 $0x1082;
	[sflag:s4] =	ssyncset.s32 $0xFFFFF086  }
0x25: {  	[simem:s6], [sflag:s4] =	dma.local [hbm:s3], $0xF7A  }
0x26: {  	[smem:$0x3F91] =	sst s1;
	(tag) =	ssettag s2;
	_ =	strace s9  }
0x27: {  	s1 =	sld [smem:$0x3FA1]  }
0x28: {  	s2 =	sld [smem:$0x3FA2]  }
0x29: {  	s4 =	sld [smem:$0x3FA4]  }
0x2a: {  	p0 =	seq.s32 s5, $0x0;
	s5 =	sld [smem:$0x3FA5]  }
0x2b: {  	s6 =	sld [smem:$0x3FA6]  }
0x2c: {  	s7 =	sld [smem:$0x3FA7]  }
0x2d: {  	s3 =	simm.s32 $0x108;
	s8 =	sld [smem:$0x3FA8]  }
0x2e: {  	s3 =	simm.s32 @!p0 $0x1082;
	s9 =	sld [smem:$0x3FA9]  }
0x2f: {  	lr =	sadd.s32 s0, s3;
	s0 =	sld [smem:$0x3FA0]  }
0x30: {  	s3 =	sld [smem:$0x3FA3]  }
0x31: {  	[smem:$0x3FAC] =	sst s10  }
0x32: {  	s10 =	sld [smem:$0x3FAA];
	_ =	sdelay $0x3  }
0x33: {  	p0 =	seq.s32 s10, $0x1;
	s10 =	sld [smem:$0x3FAC];
	_ =	sdelay $0x3  }
0x34: {  	[smem:$0x3FAC] =	sst s10  }
0x35: {  	s10 =	sld [smem:$0x3FAB];
	_ =	sdelay $0x3  }
0x36: {  	p1 =	seq.s32 s10, $0x1;
	s10 =	sld [smem:$0x3FAC];
	_ =	sdelay $0x3  }
0x37: {  	[smem:$0x3FAC] =	sst s10  }
0x38: {  	s10 =	sld [smem:$0x3FAD]  }
0x39: {  	_ = 	snop;
	(pc) =	sbr.ind lr, $3  }
0x3a: {  	_ = 	snop  }
0x3b: {  	_ = 	snop  }
0x3c: {  	p2 =	seq.s32 s10, $0x1;
	s10 =	sld [smem:$0x3FAC]  }
0x3d: {  	_ =	shalt  }
0x3e: {  	_ =	shalt  }
0x3f: {  	_ =	shalt  }
0x40: {  	_ =	shalt  }
0x41: {  	_ =	shalt  }
0x42: {  	_ =	shalt  }
0x43: {  	_ =	shalt  }
0x44: {  	_ =	shalt  }
0x45: {  	_ =	shalt  }
0x46: {  	_ =	shalt  }
0x47: {  	_ =	shalt  }
0x48: {  	_ =	shalt  }
0x49: {  	_ =	shalt  }
0x4a: {  	_ =	shalt  }
0x4b: {  	_ =	shalt  }
0x4c: {  	_ =	shalt  }
0x4d: {  	_ =	shalt  }
0x4e: {  	_ =	shalt  }
0x4f: {  	_ =	shalt  }
0x50: {  	_ =	shalt  }
0x51: {  	_ =	shalt  }
0x52: {  	_ =	shalt  }
0x53: {  	_ =	shalt  }
0x54: {  	_ =	shalt  }
0x55: {  	_ =	shalt  }
0x56: {  	_ =	shalt  }
0x57: {  	_ =	shalt  }
0x58: {  	_ =	shalt  }
0x59: {  	_ =	shalt  }
0x5a: {  	_ =	shalt  }
0x5b: {  	_ =	shalt  }
0x5c: {  	_ =	shalt  }
0x5d: {  	_ =	shalt  }
0x5e: {  	_ =	shalt  }
0x5f: {  	_ =	shalt  }
0x60: {  	_ =	shalt  }
0x61: {  	_ =	shalt  }
0x62: {  	_ =	shalt  }
0x63: {  	_ =	shalt  }
0x64: {  	_ =	shalt  }
0x65: {  	_ =	shalt  }
0x66: {  	_ =	shalt  }
0x67: {  	_ =	shalt  }
0x68: {  	_ =	shalt  }
0x69: {  	_ =	shalt  }
0x6a: {  	_ =	shalt  }
0x6b: {  	_ =	shalt  }
0x6c: {  	_ =	shalt  }
0x6d: {  	_ =	shalt  }
0x6e: {  	_ =	shalt  }
0x6f: {  	_ =	shalt  }
0x70: {  	_ =	shalt  }
0x71: {  	_ =	shalt  }
0x72: {  	_ =	shalt  }
0x73: {  	_ =	shalt  }
0x74: {  	_ =	shalt  }
0x75: {  	_ =	shalt  }
0x76: {  	_ =	shalt  }
0x77: {  	_ =	shalt  }
0x78: {  	_ =	shalt  }
0x79: {  	_ =	shalt  }
0x7a: {  	_ =	shalt  }
0x7b: {  	_ =	shalt  }
0x7c: {  	_ =	shalt  }
0x7d: {  	_ =	shalt  }
0x7e: {  	_ =	shalt  }
0x7f: {  	_ =	shalt  }
0x80: {  	_ =	shalt  }
0x81: {  	_ =	shalt  }
0x82: {  	_ =	shalt  }
0x83: {  	_ =	shalt  }
0x84: {  	_ =	shalt  }
0x85: {  	_ =	shalt  }
0x86: {  	_ =	shalt  }
0x87: {  	_ =	shalt  }
.Lfunc_end0:
.L_simem_size_0:
called_computation.1_lowered:
.L_overlay_start_0:
0x88: {  	s2 =	sld [smem:$0x3FD9]  }
0x89: {  	s3 =	sld [smem:$0x3FFE];
	_ =	sdelay $0x1  }
0x8a: {  	s1 =	srdreg.scid  }
0x8b: {  	s0 =	sand.u32 $0x1, s1  }
0x8c: {  	s16 =	sshll.u32 s0, $0xA;
	s2 =	sadd.s32 s3, s2  }
0x8d: {  	s2 =	sadd.s32 s2, s16  }
0x8e: {  	[smem:$0x3FB8] =	sst s2  }
0x8f: {  	_ = 	snop  }
0x90: {  	(tm) =	ssettm $0x1  }
0x91: {  	s17 =	sld [smem:$0x3FFB];
	_ =	sdelay $0x3  }
0x92: {  	_ =	strace s17  }
0x93: {  	s2 =	sld [smem:$0x3FFC];
	_ =	sdelay $0x3  }
0x94: {  	_ =	strace s2  }
0x95: {  	s2 =	sld [smem:$0x3FFD];
	_ =	sdelay $0x3  }
0x96: {  	_ =	strace s2  }
0x97: {  	_ =	strace $0x8FFFFFFF  }
0x98: {  	s18 =	sld [smem:$0x3FDB];
	_ =	sdelay $0x1  }
0x99: {  	s19 =	simm.s32 $_scs_section_size  }
0x9a: {  	s4 =	simm.s32 $_size__tile_overlayer_lowered;
	s5 =	simm.s32 $_tile_overlayer_lowered  }
0x9b: {  	s22 =	simm.s32 $0x1BFF;
	s21 =	sshll.u32 s5, $0x1;
	s2 =	sadd.s32 s19, s18  }
0x9c: {  	s6 =	simm.s32 $0x0;
	s20 =	sshll.u32 s4, $0x1;
	s4 =	sadd.s32 s21, s2  }
0x9d: {  	[timem:s6], [sflag:s22] =	dma.local [hbm:s4], s20  }
0x9e: {  	_ =	swait.ge [sflag:s22], s20  }
0x9f: {  	s3 =	ssub.s32 $0x0, s20;
	[sflag:s22] =	ssyncset.done $0x0  }
0xa0: {  	[sflag:s22] =	ssyncadd.s32 s3;
	_ =	sdelay $0x1  }
0xa1: {  	s23 =	simm.s32 $0x1B8B  }
0xa2: {  	_ =	swait.ge [sflag:s23], $0x1  }
0xa3: {  	[sflag:s23] =	ssyncset.done $0x0  }
0xa4: {  	s25 =	simm.s32 $0x1B8E;
	s24 =	sld [smem:$0x3FFE];
	[sflag:s23] =	ssyncadd.s32 $0xFFFFFFFF  }
0xa5: {  	s26 =	simm.s32 $execute0_lowered;
	[smem:$0x3FD2] =	sst s25  }
0xa6: {  	s4 =	sshll.u32 s26, $0x1;
	_ =	strace $0x80000049;
	[dreg:$0x1] =	wrdreg $0xFFFFFFFF  }
0xa7: {  	s28 =	simm.s32 $_size_execute0_lowered;
	s2 =	sadd.s32 s2, s4;
	[dreg:$0x0] =	wrdreg $0x0  }
0xa8: {  	s4 =	sshll.u32 s28, $0x1;
	[dreg:$0x2] =	wrdreg s2  }
0xa9: {  	[dreg:$0x3] =	wrdreg s4  }
0xaa: {  	[dreg:$0x4] =	wrdreg $0xC0  }
0xab: {  	_ =	task [dreg:s6], $0x5FFFF  }
0xac: {  	[dreg:$0x1] =	wrdreg $0xFFFFFFFF  }
0xad: {  	[dreg:$0x0] =	wrdreg $0x60  }
0xae: {  	[dreg:$0x2] =	wrdreg s24  }
0xaf: {  	[dreg:$0x3] =	wrdreg $0x0  }
0xb0: {  	[dreg:$0x4] =	wrdreg $0x9  }
0xb1: {  	_ =	task.clear_ibuf [dreg:s6], $0x5FFFF;
	_ =	strace $0x90000049  }
0xb2: {  	s29 =	simm.s32 $0x9;
	_ =	strace $0x8000004B  }
0xb3: {  	_ =	swait.ge [sflag:s29], $0x1  }
0xb4: {  	[sflag:s29] =	ssyncadd.s32 $0xFFFFFFFF  }
0xb5: {  	_ =	strace $0x9000004B  }
0xb6: {  	_ =	sfence  }
0xb7: {  	s30 =	sld [smem:$0x0];
	_ =	sdelay $0x2  }
0xb8: {  	s31 =	sshll.u32 s1, $0xD;
	s1 =	sshrl.u32 s1, $0x2  }
0xb9: {  	s3 =	sand.u32 $0x4000, s31;
	s1 =	sadd.s32 s1, s30  }
0xba: {  	s0 =	sor.u32 s3, s0;
	s1 =	sshll.u32 s1, $0x11  }
0xbb: {  	s0 =	sor.u32 s1, s0  }
0xbc: {  	s0 =	sadd.s32 $0x8F2B, s0  }
0xbd: {  	[sflag:s0] =	ssyncadd.remote.s32 $0x1  }
0xbe: {  	_ =	sfence.sel $0xFFFF  }
0xbf: {  	[dreg:$0x0] =	wrdreg $0xFFFFFFFF;
	(pc) =	sbr.abs _section_cstart, $3  }
0xc0: {  	[dreg:$0x1] =	wrdreg $0xFFFFFFFF  }
0xc1: {  	_ =	task.clear_ibuf [dreg:s6], $0x2FFFF;
	_ =	strace $0x9FFFFFFF  }
0xc2: {  	(tm) =	ssettm $0x7FFFFFFF  }
0xc3: {  	_ =	shalt  }
tec
execute0_lowered:
.L_overlay_start_1:
0x0: {  	(tag) =	ssettag $0x1  }
0x1: {  	s5 =	rddreg [dreg:$0x0];
	s0 =	srdreg.scid  }
0x2: {  	s2 =	rddreg [dreg:$0x1];
	s1 =	stileid.u32;
	s3 =	simm.s32 $0x0  }
0x3: {  	s13 =	simm.s32 $0x13C00;
	s14 =	simm.s32 $0x13C80;
	s15 =	simm.s32 $0x80  }
0x4: {  	s16 =	simm.s32 $0x13D00;
	s17 =	simm.s32 $0x2;
	s8 =	smul.u32 $0x2780, s1  }
0x5: {  	s18 =	simm.s32 $0x1;
	s19 =	simm.s32 $0x0;
	s26 =	smul.u32 $0x4F000, s1  }
0x6: {  	s6 =	sand.u32 $0x1, s0;
	s0 =	rddreg [dreg:$0x2];
	s30 =	smul.u32 $0x500, s1  }
0x7: {  	[smem:$0x7FF] =	sst s3;
	s4 =	sadd.s32 $0x17000, s5;
	s7 =	smul.u32 $0x5000, s6  }
0x8: {  	s31 =	sshll.u32 s1, $0x6;
	s9 =	smul.u32 $0x27800, s6;
	s6 =	ssub.s32 $0x2, s6  }
0x9: {  	_ =	strace $0x8000004A;
	s28 =	sshrl.u32 s6, $0x1;
	s29 =	sshrl.u32 s26, $0x2  }
0xa: {  	s10 =	sadd.s32 s7, s5;
	s25 =	sadd.s32 s8, s9;
	s8 =	sadd.s32 s8, s5  }
0xb: {  	s11 =	ssub.s32 s6, s28;
	s12 =	sadd.s32 s29, s2;
	s6 =	sor.u32 $0x1C03, s31  }
0xc: {  	s7 =	sadd.s32 s25, s5;
	s5 =	sadd.s32 $0x3E200, s8;
	s10 =	sadd.s32 s30, s10  }
0xd: {  	s8 =	smax.u32 s11, $0x1;
	s11 =	sshrl.u32 s12, $0x3;
	s12 =	simm.s32 $0x3  }
0xe: {  	s7 =	sadd.s32 $0x65A00, s7;
	s9 =	sadd.s32 $0xD000, s10;
	s10 =	sadd.s32 $0x3000, s10  }
.LBB2_1:
0xf: {  	[spmem:s11], [sflag:s6] =	dma.local [hbm:s5], $0x2780  }
0x10: {  	_ =	swait.ge [sflag:s12], $0x2780  }
0x11: {  	[sflag:s12] =	ssyncset.done $0x0  }
0x12: {  	[sflag:s12] =	ssyncadd.s32 $0xFFFFD880  }
0x13: {  	s20 =	sadd.s32 $0x0, s10;
	[bflag:$0x0] =	sbarrier.arrive $0xFFFF  }
0x14: {  	[tilespmem:s13], [sflag:$0x3] =	stream.linear.gather [hbm4b:s20+s3], $0x80, $0x38;
	[tilespmem:$0x17D00] =	vst v63  }
0x15: {  	_ =	swait.ge [sflag:s12], $0x80  }
0x16: {  	[sflag:s12] =	ssyncset.done $0x0  }
0x17: {  	s31 =	sadd.s32 $0x0, s9;
	[sflag:s12] =	ssyncadd.s32 $0xFFFFFF80  }
0x18: {  	[tilespmem:s14], [sflag:$0x2] =	stream.linear.gather [hbm4b:s31+s3], $0x80, $0x38;
	[tilespmem:$0x17D00] =	vst v63  }
0x19: {  	_ = 	snop  }
0x1a: {  	[tilespmem:s16], [sflag:$0x1] =	stream.indirect.gather [hbm4b:s4+s15], $0x80, s13, s15, $0xb8;
	[tilespmem:$0x17D00] =	vst v63  }
0x1b: {  	_ =	swait.ge [sflag:s17], $0x80  }
0x1c: {  	[sflag:s17] =	ssyncset.done $0x0  }
0x1d: {  	[sflag:s17] =	ssyncadd.s32 $0xFFFFFF80  }
0x1e: {  	_ =	swait.ge [sflag:s18], $0x4000  }
0x1f: {  	[sflag:s18] =	ssyncset.done $0x0  }
0x20: {  	[sflag:s18] =	ssyncadd.s32 $0xFFFFC000  }
0x21: {  	[spmem:s2] =	stream.indirect.scatter.add.f32 [tilespmem:s16], [sflag:$0x3], $0x80, s14, s15, $0xb8;
	[tilespmem:$0x17D00] =	vst v63  }
0x22: {  	_ =	swait.ge [sflag:s12], $0x4000  }
0x23: {  	s21 =	simm.s32 $0x20;
	s20 =	simm.s32 $0x10;
	[sflag:s12] =	ssyncset.done $0x0  }
.LBB2_2:
0x24: {  	s22 =	sadd.s32 s20, s10  }
0x25: {  	[sflag:s12] =	ssyncadd.s32 $0xFFFFC000;
	s23 =	smov.u32 s21;
	s24 =	sadd.s32 $0x10, s21  }
0x26: {  	[tilespmem:s13], [sflag:$0x3] =	stream.linear.gather [hbm4b:s22+s3], $0x80, $0x38;
	[tilespmem:$0x17D00] =	vst v63  }
0x27: {  	p0 =	sne.s32 s21, $0x4F0;
	_ =	swait.ge [sflag:s12], $0x80  }
0x28: {  	[sflag:s12] =	ssyncset.done $0x0  }
0x29: {  	s21 =	sadd.s32 s20, s9;
	s20 =	smov.u32 s23;
	[sflag:s12] =	ssyncadd.s32 $0xFFFFFF80  }
0x2a: {  	[tilespmem:s14], [sflag:$0x2] =	stream.linear.gather [hbm4b:s21+s3], $0x80, $0x38;
	[tilespmem:$0x17D00] =	vst v63  }
0x2b: {  	_ = 	snop  }
0x2c: {  	[tilespmem:s16], [sflag:$0x1] =	stream.indirect.gather [hbm4b:s4+s15], $0x80, s13, s15, $0xb8;
	[tilespmem:$0x17D00] =	vst v63  }
0x2d: {  	_ =	swait.ge [sflag:s17], $0x80  }
0x2e: {  	[sflag:s17] =	ssyncset.done $0x0  }
0x2f: {  	[sflag:s17] =	ssyncadd.s32 $0xFFFFFF80  }
0x30: {  	_ =	swait.ge [sflag:s18], $0x4000  }
.Ltmp0:
0x31: {  	[sflag:s18] =	ssyncset.done $0x0;
	(pc) =	sbr.rel @p0 .LBB2_2-.Ltmp0, $4  }
0x32: {  	[sflag:s18] =	ssyncadd.s32 $0xFFFFC000  }
0x33: {  	[spmem:s2] =	stream.indirect.scatter.add.f32 [tilespmem:s16], [sflag:$0x3], $0x80, s14, s15, $0xb8;
	[tilespmem:$0x17D00] =	vst v63  }
0x34: {  	_ =	swait.ge [sflag:s12], $0x4000  }
0x35: {  	s21 =	smov.u32 s24;
	[sflag:s12] =	ssyncset.done $0x0  }
0x36: {  	s21 =	sadd.s32 s20, s10;
	[sflag:s12] =	ssyncadd.s32 $0xFFFFC000  }
0x37: {  	[tilespmem:s13], [sflag:$0x3] =	stream.linear.gather [hbm4b:s21+s3], $0x80, $0x38;
	[tilespmem:$0x17D00] =	vst v63  }
0x38: {  	_ =	swait.ge [sflag:s12], $0x80  }
0x39: {  	[sflag:s12] =	ssyncset.done $0x0  }
0x3a: {  	s31 =	sadd.s32 s20, s9;
	[sflag:s12] =	ssyncadd.s32 $0xFFFFFF80  }
0x3b: {  	[tilespmem:s14], [sflag:$0x2] =	stream.linear.gather [hbm4b:s31+s3], $0x80, $0x38;
	[tilespmem:$0x17D00] =	vst v63  }
0x3c: {  	_ = 	snop  }
0x3d: {  	[tilespmem:s16], [sflag:$0x1] =	stream.indirect.gather [hbm4b:s4+s15], $0x80, s13, s15, $0xb8;
	[tilespmem:$0x17D00] =	vst v63  }
0x3e: {  	_ =	swait.ge [sflag:s17], $0x80  }
0x3f: {  	[sflag:s17] =	ssyncset.done $0x0  }
0x40: {  	[sflag:s17] =	ssyncadd.s32 $0xFFFFFF80  }
0x41: {  	_ =	swait.ge [sflag:s18], $0x4000  }
0x42: {  	[sflag:s18] =	ssyncset.done $0x0  }
0x43: {  	[sflag:s18] =	ssyncadd.s32 $0xFFFFC000  }
0x44: {  	[spmem:s2] =	stream.indirect.scatter.add.f32 [tilespmem:s16], [sflag:$0x3], $0x80, s14, s15, $0xb8;
	[tilespmem:$0x17D00] =	vst v63  }
0x45: {  	_ =	swait.ge [sflag:s12], $0x4000  }
0x46: {  	s19 =	sadd.s32 $0x1, s19;
	[sflag:s12] =	ssyncset.done $0x0  }
0x47: {  	p0 =	sne.s32 s19, s8;
	[sflag:s12] =	ssyncadd.s32 $0xFFFFC000  }
.Ltmp1:
0x48: {  	[bflag:$0x0] =	sbarrier.arrive $0xFFFF;
	(pc) =	sbr.rel @p0 .LBB2_1-.Ltmp1, $4  }
0x49: {  	[hbm:s7], [sflag:s6] =	dma.local [spmem:s11], $0x2780  }
0x4a: {  	_ =	swait.ge [sflag:s12], $0x2780  }
0x4b: {  	[sflag:s12] =	ssyncset.done $0x0  }
0x4c: {  	[sflag:s12] =	ssyncadd.s32 $0xFFFFD880  }
0x4d: {  	_ =	sfence.sel $0x180000  }
0x4e: {  	[bflag:$0x0] =	sbarrier.arrive $0xFFFF  }
0x4f: {  	p0 =	sne.s32 s1, $0x0;
	_ =	strace $0x9000004A  }
0x50: {  	s0 =	sadd.s32 @!p0 $0x100000, s0;
	[bflag:$0x2] =	sbarrier.arrive $0xFFFF  }
0x51: {  	[sflag:s0] =	ssyncadd.tile.s32 @!p0 $0x1;
	_ =	shalt  }
.Lfunc_end2:
_tile_overlayer_lowered:
.L_overlay_start_2:
0x52: {  	(tag) =	ssettag $0x2  }
0x53: {  	s0 =	rddreg [dreg:$0x0];
	s2 =	stileid.u32  }
0x54: {  	s1 =	rddreg [dreg:$0x1];
	p0 =	sne.s32 s2, $0x0  }
0x55: {  	s3 =	rddreg [dreg:$0x2];
	[bflag:$0x3] =	sbarrier.arrive $0xFFFF;
	s2 =	simm.s32 @!p0 $0x1C03  }
0x56: {  	[timem:s3], [sflag:s2] =	dma.local @!p0 [hbm:s0], s1  }
0x57: {  	s0 =	simm.s32 @!p0 $0x3  }
0x58: {  	_ =	swait.ge @!p0 [sflag:s0], s1  }
0x59: {  	s1 =	ssub.s32 @!p0 $0x0, s1;
	[sflag:s0] =	ssyncset.done @!p0 $0x0  }
0x5a: {  	[sflag:s0] =	ssyncadd.s32 @!p0 s1  }
0x5b: {  	[bflag:$0x3] =	sbarrier.arrive $0xFFFF  }
0x5c: {  	_ =	shalt  }

// kernel: kernel.15.cloned.1.call-start
scs
__scs_entry_jumppad:
0x0: {  	(pc) =	sbr.rel $0x88, $3  }
0x1: {  	(tag) =	ssettag $0x0;
	lr =	simm.s32 $0x1  }
0x2: {  	[smem:$0x3F91] =	sst lr;
	_ =	strace $0xD0000000  }
0x3: {  	_ = 	snop  }
0x4: {  	_ = 	snop  }
0x5: {  	_ = 	snop  }
0x6: {  	_ = 	snop  }
0x7: {  	_ = 	snop  }
__scs_overlays_trampoline_lowered:
0x8: {  	[smem:$0x3FA0] =	sst s0  }
0x9: {  	[smem:$0x3FA1] =	sst s1  }
0xa: {  	[smem:$0x3FA2] =	sst s2  }
0xb: {  	[smem:$0x3FA3] =	sst s3  }
0xc: {  	[smem:$0x3FA4] =	sst s4  }
0xd: {  	[smem:$0x3FA5] =	sst s5  }
0xe: {  	[smem:$0x3FA6] =	sst s6  }
0xf: {  	[smem:$0x3FA7] =	sst s7  }
0x10: {  	[smem:$0x3FA8] =	sst s8  }
0x11: {  	[smem:$0x3FA9] =	sst s9;
	s0 =	simm.s32 @!p0 $0x0  }
0x12: {  	s1 =	sld [smem:$0x3F8F];
	s0 =	simm.s32 @p0 $0x1  }
0x13: {  	[smem:$0x3FAA] =	sst s0;
	s0 =	simm.s32 @!p1 $0x0  }
0x14: {  	s2 =	sld [smem:$0x3F8E];
	s0 =	simm.s32 @p1 $0x1  }
0x15: {  	[smem:$0x3FAB] =	sst s0;
	s0 =	simm.s32 @!p2 $0x0  }
0x16: {  	s3 =	sld [smem:$0x3FDB];
	s0 =	simm.s32 @p2 $0x1  }
0x17: {  	s4 =	simm.s32 $0x1BF5;
	[smem:$0x3FAD] =	sst s0  }
0x18: {  	s0 =	sld [smem:$0x3F90];
	_ =	swait.ge [sflag:s4], $0x0  }
0x19: {  	s7 =	sld [smem:$0x3F91]  }
0x1a: {  	s8 =	sadd.s32 $0xFFFFE003, lr  }
0x1b: {  	s9 =	sadd.s32 $0xFFFFFEF7, lr;
	s5 =	simm.s32 $0xFFFFFFFF;
	p2 =	slt.u32 s8, $0xFFFFF086  }
0x1c: {  	p1 =	slt.u32 s9, $0xF7A;
	s5 =	simm.s32 @!p2 $0x0  }
0x1d: {  	s5 =	simm.s32 @p1 $0x1;
	p0 =	seq.s32 s7, s2  }
0x1e: {  	s7 =	smul.u32 @!p0 $0xF7A, s2;
	p2 =	seq.s32 @!p0 s5, $0x0  }
0x1f: {  	s9 =	smul.u32 $0xF7A, s1;
	s8 =	simm.s32 @!p0 $0x1BF5;
	p2 =	por !p2, p0  }
0x20: {  	[sflag:s8] =	ssyncset.s32 @!p0 $0xFFFFF086;
	s6 =	sadd.s32 @!p0 s3, s7;
	s7 =	simm.s32 @!p0 $0x108  }
0x21: {  	s3 =	sadd.s32 s3, s9;
	s6 =	sadd.s32 @!p0 $0x88, s6;
	s7 =	simm.s32 @p2 $0x1082  }
0x22: {  	[simem:s7], [sflag:s8] =	dma.local @!p0 [hbm:s6], $0xF7A  }
0x23: {  	s9 =	sor.u32 $0xD0000000, s2;
	s6 =	simm.s32 $0x108;
	_ =	swait.ge @!p0 [sflag:s8], $0x0  }
0x24: {  	s3 =	sadd.s32 $0x88, s3;
	s6 =	simm.s32 @!p1 $0x1082;
	[sflag:s4] =	ssyncset.s32 $0xFFFFF086  }
0x25: {  	[simem:s6], [sflag:s4] =	dma.local [hbm:s3], $0xF7A  }
0x26: {  	[smem:$0x3F91] =	sst s1;
	(tag) =	ssettag s2;
	_ =	strace s9  }
0x27: {  	s1 =	sld [smem:$0x3FA1]  }
0x28: {  	s2 =	sld [smem:$0x3FA2]  }
0x29: {  	s4 =	sld [smem:$0x3FA4]  }
0x2a: {  	p0 =	seq.s32 s5, $0x0;
	s5 =	sld [smem:$0x3FA5]  }
0x2b: {  	s6 =	sld [smem:$0x3FA6]  }
0x2c: {  	s7 =	sld [smem:$0x3FA7]  }
0x2d: {  	s3 =	simm.s32 $0x108;
	s8 =	sld [smem:$0x3FA8]  }
0x2e: {  	s3 =	simm.s32 @!p0 $0x1082;
	s9 =	sld [smem:$0x3FA9]  }
0x2f: {  	lr =	sadd.s32 s0, s3;
	s0 =	sld [smem:$0x3FA0]  }
0x30: {  	s3 =	sld [smem:$0x3FA3]  }
0x31: {  	[smem:$0x3FAC] =	sst s10  }
0x32: {  	s10 =	sld [smem:$0x3FAA];
	_ =	sdelay $0x3  }
0x33: {  	p0 =	seq.s32 s10, $0x1;
	s10 =	sld [smem:$0x3FAC];
	_ =	sdelay $0x3  }
0x34: {  	[smem:$0x3FAC] =	sst s10  }
0x35: {  	s10 =	sld [smem:$0x3FAB];
	_ =	sdelay $0x3  }
0x36: {  	p1 =	seq.s32 s10, $0x1;
	s10 =	sld [smem:$0x3FAC];
	_ =	sdelay $0x3  }
0x37: {  	[smem:$0x3FAC] =	sst s10  }
0x38: {  	s10 =	sld [smem:$0x3FAD]  }
0x39: {  	_ = 	snop;
	(pc) =	sbr.ind lr, $3  }
0x3a: {  	_ = 	snop  }
0x3b: {  	_ = 	snop  }
0x3c: {  	p2 =	seq.s32 s10, $0x1;
	s10 =	sld [smem:$0x3FAC]  }
0x3d: {  	_ =	shalt  }
0x3e: {  	_ =	shalt  }
0x3f: {  	_ =	shalt  }
0x40: {  	_ =	shalt  }
0x41: {  	_ =	shalt  }
0x42: {  	_ =	shalt  }
0x43: {  	_ =	shalt  }
0x44: {  	_ =	shalt  }
0x45: {  	_ =	shalt  }
0x46: {  	_ =	shalt  }
0x47: {  	_ =	shalt  }
0x48: {  	_ =	shalt  }
0x49: {  	_ =	shalt  }
0x4a: {  	_ =	shalt  }
0x4b: {  	_ =	shalt  }
0x4c: {  	_ =	shalt  }
0x4d: {  	_ =	shalt  }
0x4e: {  	_ =	shalt  }
0x4f: {  	_ =	shalt  }
0x50: {  	_ =	shalt  }
0x51: {  	_ =	shalt  }
0x52: {  	_ =	shalt  }
0x53: {  	_ =	shalt  }
0x54: {  	_ =	shalt  }
0x55: {  	_ =	shalt  }
0x56: {  	_ =	shalt  }
0x57: {  	_ =	shalt  }
0x58: {  	_ =	shalt  }
0x59: {  	_ =	shalt  }
0x5a: {  	_ =	shalt  }
0x5b: {  	_ =	shalt  }
0x5c: {  	_ =	shalt  }
0x5d: {  	_ =	shalt  }
0x5e: {  	_ =	shalt  }
0x5f: {  	_ =	shalt  }
0x60: {  	_ =	shalt  }
0x61: {  	_ =	shalt  }
0x62: {  	_ =	shalt  }
0x63: {  	_ =	shalt  }
0x64: {  	_ =	shalt  }
0x65: {  	_ =	shalt  }
0x66: {  	_ =	shalt  }
0x67: {  	_ =	shalt  }
0x68: {  	_ =	shalt  }
0x69: {  	_ =	shalt  }
0x6a: {  	_ =	shalt  }
0x6b: {  	_ =	shalt  }
0x6c: {  	_ =	shalt  }
0x6d: {  	_ =	shalt  }
0x6e: {  	_ =	shalt  }
0x6f: {  	_ =	shalt  }
0x70: {  	_ =	shalt  }
0x71: {  	_ =	shalt  }
0x72: {  	_ =	shalt  }
0x73: {  	_ =	shalt  }
0x74: {  	_ =	shalt  }
0x75: {  	_ =	shalt  }
0x76: {  	_ =	shalt  }
0x77: {  	_ =	shalt  }
0x78: {  	_ =	shalt  }
0x79: {  	_ =	shalt  }
0x7a: {  	_ =	shalt  }
0x7b: {  	_ =	shalt  }
0x7c: {  	_ =	shalt  }
0x7d: {  	_ =	shalt  }
0x7e: {  	_ =	shalt  }
0x7f: {  	_ =	shalt  }
0x80: {  	_ =	shalt  }
0x81: {  	_ =	shalt  }
0x82: {  	_ =	shalt  }
0x83: {  	_ =	shalt  }
0x84: {  	_ =	shalt  }
0x85: {  	_ =	shalt  }
0x86: {  	_ =	shalt  }
0x87: {  	_ =	shalt  }
.Lfunc_end0:
.L_simem_size_0:
called_computation.2_lowered:
.L_overlay_start_0:
0x88: {  	s2 =	sld [smem:$0x3FD9]  }
0x89: {  	s3 =	sld [smem:$0x3FFE];
	_ =	sdelay $0x1  }
0x8a: {  	s1 =	srdreg.scid  }
0x8b: {  	s0 =	sand.u32 $0x1, s1  }
0x8c: {  	s16 =	sshll.u32 s0, $0xA;
	s2 =	sadd.s32 s3, s2  }
0x8d: {  	s2 =	sadd.s32 s2, s16  }
0x8e: {  	[smem:$0x3FB8] =	sst s2  }
0x8f: {  	_ = 	snop  }
0x90: {  	(tm) =	ssettm $0x1  }
0x91: {  	s17 =	sld [smem:$0x3FFB];
	_ =	sdelay $0x3  }
0x92: {  	_ =	strace s17  }
0x93: {  	s2 =	sld [smem:$0x3FFC];
	_ =	sdelay $0x3  }
0x94: {  	_ =	strace s2  }
0x95: {  	s2 =	sld [smem:$0x3FFD];
	_ =	sdelay $0x3  }
0x96: {  	_ =	strace s2  }
0x97: {  	_ =	strace $0x8FFFFFFF  }
0x98: {  	s18 =	sld [smem:$0x3FDB];
	_ =	sdelay $0x1  }
0x99: {  	s19 =	simm.s32 $_scs_section_size  }
0x9a: {  	s4 =	simm.s32 $_size__tile_overlayer_lowered;
	s5 =	simm.s32 $_tile_overlayer_lowered  }
0x9b: {  	s22 =	simm.s32 $0x1BFF;
	s21 =	sshll.u32 s5, $0x1;
	s2 =	sadd.s32 s19, s18  }
0x9c: {  	s6 =	simm.s32 $0x0;
	s20 =	sshll.u32 s4, $0x1;
	s4 =	sadd.s32 s21, s2  }
0x9d: {  	[timem:s6], [sflag:s22] =	dma.local [hbm:s4], s20  }
0x9e: {  	_ =	swait.ge [sflag:s22], s20  }
0x9f: {  	s3 =	ssub.s32 $0x0, s20;
	[sflag:s22] =	ssyncset.done $0x0  }
0xa0: {  	[sflag:s22] =	ssyncadd.s32 s3;
	_ =	sdelay $0x1  }
0xa1: {  	s23 =	simm.s32 $0x1B8B  }
0xa2: {  	_ =	swait.ge [sflag:s23], $0x1  }
0xa3: {  	[sflag:s23] =	ssyncset.done $0x0  }
0xa4: {  	s25 =	simm.s32 $0x1B8E;
	s24 =	sld [smem:$0x3FFE];
	[sflag:s23] =	ssyncadd.s32 $0xFFFFFFFF  }
0xa5: {  	s26 =	simm.s32 $execute0_lowered;
	[smem:$0x3FD2] =	sst s25  }
0xa6: {  	s4 =	sshll.u32 s26, $0x1;
	_ =	strace $0x8000004C;
	[dreg:$0x1] =	wrdreg $0xFFFFFFFF  }
0xa7: {  	s28 =	simm.s32 $_size_execute0_lowered;
	s2 =	sadd.s32 s2, s4;
	[dreg:$0x0] =	wrdreg $0x0  }
0xa8: {  	s4 =	sshll.u32 s28, $0x1;
	[dreg:$0x2] =	wrdreg s2  }
0xa9: {  	[dreg:$0x3] =	wrdreg s4  }
0xaa: {  	[dreg:$0x4] =	wrdreg $0xC0  }
0xab: {  	_ =	task [dreg:s6], $0x5FFFF  }
0xac: {  	[dreg:$0x1] =	wrdreg $0xFFFFFFFF  }
0xad: {  	[dreg:$0x0] =	wrdreg $0x60  }
0xae: {  	[dreg:$0x2] =	wrdreg s24  }
0xaf: {  	[dreg:$0x3] =	wrdreg $0x0  }
0xb0: {  	[dreg:$0x4] =	wrdreg $0x9  }
0xb1: {  	_ =	task.clear_ibuf [dreg:s6], $0x5FFFF;
	_ =	strace $0x9000004C  }
0xb2: {  	s29 =	simm.s32 $0x9;
	_ =	strace $0x8000004E  }
0xb3: {  	_ =	swait.ge [sflag:s29], $0x1  }
0xb4: {  	[sflag:s29] =	ssyncadd.s32 $0xFFFFFFFF  }
0xb5: {  	_ =	strace $0x9000004E  }
0xb6: {  	_ =	sfence  }
0xb7: {  	s30 =	sld [smem:$0x0];
	_ =	sdelay $0x2  }
0xb8: {  	s31 =	sshll.u32 s1, $0xD;
	s1 =	sshrl.u32 s1, $0x2  }
0xb9: {  	s3 =	sand.u32 $0x4000, s31;
	s1 =	sadd.s32 s1, s30  }
0xba: {  	s0 =	sor.u32 s3, s0;
	s1 =	sshll.u32 s1, $0x11  }
0xbb: {  	s0 =	sor.u32 s1, s0  }
0xbc: {  	s0 =	sadd.s32 $0x8F2B, s0  }
0xbd: {  	[sflag:s0] =	ssyncadd.remote.s32 $0x1  }
0xbe: {  	_ =	sfence.sel $0xFFFF  }
0xbf: {  	[dreg:$0x0] =	wrdreg $0xFFFFFFFF;
	(pc) =	sbr.abs _section_cstart, $3  }
0xc0: {  	[dreg:$0x1] =	wrdreg $0xFFFFFFFF  }
0xc1: {  	_ =	task.clear_ibuf [dreg:s6], $0x2FFFF;
	_ =	strace $0x9FFFFFFF  }
0xc2: {  	(tm) =	ssettm $0x7FFFFFFF  }
0xc3: {  	_ =	shalt  }
tec
execute0_lowered:
.L_overlay_start_1:
0x0: {  	(tag) =	ssettag $0x1  }
0x1: {  	s5 =	rddreg [dreg:$0x0];
	s0 =	srdreg.scid  }
0x2: {  	s2 =	rddreg [dreg:$0x1];
	s1 =	stileid.u32;
	s3 =	simm.s32 $0x0  }
0x3: {  	s13 =	simm.s32 $0x13C00;
	s14 =	simm.s32 $0x13C80;
	s15 =	simm.s32 $0x80  }
0x4: {  	s16 =	simm.s32 $0x13D00;
	s17 =	simm.s32 $0x2;
	s8 =	smul.u32 $0x2780, s1  }
0x5: {  	s18 =	simm.s32 $0x1;
	s19 =	simm.s32 $0x0;
	s26 =	smul.u32 $0x4F000, s1  }
0x6: {  	s6 =	sand.u32 $0x1, s0;
	s0 =	rddreg [dreg:$0x2];
	s30 =	smul.u32 $0x500, s1  }
0x7: {  	[smem:$0x7FF] =	sst s3;
	s4 =	sadd.s32 $0x17000, s5;
	s7 =	smul.u32 $0x5000, s6  }
0x8: {  	s31 =	sshll.u32 s1, $0x6;
	s9 =	smul.u32 $0x27800, s6;
	s6 =	ssub.s32 $0x2, s6  }
0x9: {  	_ =	strace $0x8000004D;
	s28 =	sshrl.u32 s6, $0x1;
	s29 =	sshrl.u32 s26, $0x2  }
0xa: {  	s10 =	sadd.s32 s7, s5;
	s25 =	sadd.s32 s8, s9;
	s8 =	sadd.s32 s8, s5  }
0xb: {  	s11 =	ssub.s32 s6, s28;
	s12 =	sadd.s32 s29, s2;
	s6 =	sor.u32 $0x1C03, s31  }
0xc: {  	s7 =	sadd.s32 s25, s5;
	s5 =	sadd.s32 $0x3E200, s8;
	s10 =	sadd.s32 s30, s10  }
0xd: {  	s8 =	smax.u32 s11, $0x1;
	s11 =	sshrl.u32 s12, $0x3;
	s12 =	simm.s32 $0x3  }
0xe: {  	s7 =	sadd.s32 $0x65A00, s7;
	s9 =	sadd.s32 $0xD000, s10;
	s10 =	sadd.s32 $0x3000, s10  }
.LBB2_1:
0xf: {  	[spmem:s11], [sflag:s6] =	dma.local [hbm:s5], $0x2780  }
0x10: {  	_ =	swait.ge [sflag:s12], $0x2780  }
0x11: {  	[sflag:s12] =	ssyncset.done $0x0  }
0x12: {  	[sflag:s12] =	ssyncadd.s32 $0xFFFFD880  }
0x13: {  	s20 =	sadd.s32 $0x0, s10;
	[bflag:$0x0] =	sbarrier.arrive $0xFFFF  }
0x14: {  	[tilespmem:s13], [sflag:$0x3] =	stream.linear.gather [hbm4b:s20+s3], $0x80, $0x38;
	[tilespmem:$0x17D00] =	vst v63  }
0x15: {  	_ =	swait.ge [sflag:s12], $0x80  }
0x16: {  	[sflag:s12] =	ssyncset.done $0x0  }
0x17: {  	s31 =	sadd.s32 $0x0, s9;
	[sflag:s12] =	ssyncadd.s32 $0xFFFFFF80  }
0x18: {  	[tilespmem:s14], [sflag:$0x2] =	stream.linear.gather [hbm4b:s31+s3], $0x80, $0x38;
	[tilespmem:$0x17D00] =	vst v63  }
0x19: {  	_ = 	snop  }
0x1a: {  	[tilespmem:s16], [sflag:$0x1] =	stream.indirect.gather [hbm4b:s4+s15], $0x80, s13, s15, $0xb8;
	[tilespmem:$0x17D00] =	vst v63  }
0x1b: {  	_ =	swait.ge [sflag:s17], $0x80  }
0x1c: {  	[sflag:s17] =	ssyncset.done $0x0  }
0x1d: {  	[sflag:s17] =	ssyncadd.s32 $0xFFFFFF80  }
0x1e: {  	_ =	swait.ge [sflag:s18], $0x4000  }
0x1f: {  	[sflag:s18] =	ssyncset.done $0x0  }
0x20: {  	[sflag:s18] =	ssyncadd.s32 $0xFFFFC000  }
0x21: {  	[spmem:s2] =	stream.indirect.scatter.add.f32 [tilespmem:s16], [sflag:$0x3], $0x80, s14, s15, $0xb8;
	[tilespmem:$0x17D00] =	vst v63  }
0x22: {  	_ =	swait.ge [sflag:s12], $0x4000  }
0x23: {  	s21 =	simm.s32 $0x20;
	s20 =	simm.s32 $0x10;
	[sflag:s12] =	ssyncset.done $0x0  }
.LBB2_2:
0x24: {  	s22 =	sadd.s32 s20, s10  }
0x25: {  	[sflag:s12] =	ssyncadd.s32 $0xFFFFC000;
	s23 =	smov.u32 s21;
	s24 =	sadd.s32 $0x10, s21  }
0x26: {  	[tilespmem:s13], [sflag:$0x3] =	stream.linear.gather [hbm4b:s22+s3], $0x80, $0x38;
	[tilespmem:$0x17D00] =	vst v63  }
0x27: {  	p0 =	sne.s32 s21, $0x4F0;
	_ =	swait.ge [sflag:s12], $0x80  }
0x28: {  	[sflag:s12] =	ssyncset.done $0x0  }
0x29: {  	s21 =	sadd.s32 s20, s9;
	s20 =	smov.u32 s23;
	[sflag:s12] =	ssyncadd.s32 $0xFFFFFF80  }
0x2a: {  	[tilespmem:s14], [sflag:$0x2] =	stream.linear.gather [hbm4b:s21+s3], $0x80, $0x38;
	[tilespmem:$0x17D00] =	vst v63  }
0x2b: {  	_ = 	snop  }
0x2c: {  	[tilespmem:s16], [sflag:$0x1] =	stream.indirect.gather [hbm4b:s4+s15], $0x80, s13, s15, $0xb8;
	[tilespmem:$0x17D00] =	vst v63  }
0x2d: {  	_ =	swait.ge [sflag:s17], $0x80  }
0x2e: {  	[sflag:s17] =	ssyncset.done $0x0  }
0x2f: {  	[sflag:s17] =	ssyncadd.s32 $0xFFFFFF80  }
0x30: {  	_ =	swait.ge [sflag:s18], $0x4000  }
.Ltmp0:
0x31: {  	[sflag:s18] =	ssyncset.done $0x0;
	(pc) =	sbr.rel @p0 .LBB2_2-.Ltmp0, $4  }
0x32: {  	[sflag:s18] =	ssyncadd.s32 $0xFFFFC000  }
0x33: {  	[spmem:s2] =	stream.indirect.scatter.add.f32 [tilespmem:s16], [sflag:$0x3], $0x80, s14, s15, $0xb8;
	[tilespmem:$0x17D00] =	vst v63  }
0x34: {  	_ =	swait.ge [sflag:s12], $0x4000  }
0x35: {  	s21 =	smov.u32 s24;
	[sflag:s12] =	ssyncset.done $0x0  }
0x36: {  	s21 =	sadd.s32 s20, s10;
	[sflag:s12] =	ssyncadd.s32 $0xFFFFC000  }
0x37: {  	[tilespmem:s13], [sflag:$0x3] =	stream.linear.gather [hbm4b:s21+s3], $0x80, $0x38;
	[tilespmem:$0x17D00] =	vst v63  }
0x38: {  	_ =	swait.ge [sflag:s12], $0x80  }
0x39: {  	[sflag:s12] =	ssyncset.done $0x0  }
0x3a: {  	s31 =	sadd.s32 s20, s9;
	[sflag:s12] =	ssyncadd.s32 $0xFFFFFF80  }
0x3b: {  	[tilespmem:s14], [sflag:$0x2] =	stream.linear.gather [hbm4b:s31+s3], $0x80, $0x38;
	[tilespmem:$0x17D00] =	vst v63  }
0x3c: {  	_ = 	snop  }
0x3d: {  	[tilespmem:s16], [sflag:$0x1] =	stream.indirect.gather [hbm4b:s4+s15], $0x80, s13, s15, $0xb8;
	[tilespmem:$0x17D00] =	vst v63  }
0x3e: {  	_ =	swait.ge [sflag:s17], $0x80  }
0x3f: {  	[sflag:s17] =	ssyncset.done $0x0  }
0x40: {  	[sflag:s17] =	ssyncadd.s32 $0xFFFFFF80  }
0x41: {  	_ =	swait.ge [sflag:s18], $0x4000  }
0x42: {  	[sflag:s18] =	ssyncset.done $0x0  }
0x43: {  	[sflag:s18] =	ssyncadd.s32 $0xFFFFC000  }
0x44: {  	[spmem:s2] =	stream.indirect.scatter.add.f32 [tilespmem:s16], [sflag:$0x3], $0x80, s14, s15, $0xb8;
	[tilespmem:$0x17D00] =	vst v63  }
0x45: {  	_ =	swait.ge [sflag:s12], $0x4000  }
0x46: {  	s19 =	sadd.s32 $0x1, s19;
	[sflag:s12] =	ssyncset.done $0x0  }
0x47: {  	p0 =	sne.s32 s19, s8;
	[sflag:s12] =	ssyncadd.s32 $0xFFFFC000  }
.Ltmp1:
0x48: {  	[bflag:$0x0] =	sbarrier.arrive $0xFFFF;
	(pc) =	sbr.rel @p0 .LBB2_1-.Ltmp1, $4  }
0x49: {  	[hbm:s7], [sflag:s6] =	dma.local [spmem:s11], $0x2780  }
0x4a: {  	_ =	swait.ge [sflag:s12], $0x2780  }
0x4b: {  	[sflag:s12] =	ssyncset.done $0x0  }
0x4c: {  	[sflag:s12] =	ssyncadd.s32 $0xFFFFD880  }
0x4d: {  	_ =	sfence.sel $0x180000  }
0x4e: {  	[bflag:$0x0] =	sbarrier.arrive $0xFFFF  }
0x4f: {  	p0 =	sne.s32 s1, $0x0;
	_ =	strace $0x9000004D  }
0x50: {  	s0 =	sadd.s32 @!p0 $0x100000, s0;
	[bflag:$0x2] =	sbarrier.arrive $0xFFFF  }
0x51: {  	[sflag:s0] =	ssyncadd.tile.s32 @!p0 $0x1;
	_ =	shalt  }
.Lfunc_end2:
_tile_overlayer_lowered:
.L_overlay_start_2:
0x52: {  	(tag) =	ssettag $0x2  }
0x53: {  	s0 =	rddreg [dreg:$0x0];
	s2 =	stileid.u32  }
0x54: {  	s1 =	rddreg [dreg:$0x1];
	p0 =	sne.s32 s2, $0x0  }
0x55: {  	s3 =	rddreg [dreg:$0x2];
	[bflag:$0x3] =	sbarrier.arrive $0xFFFF;
	s2 =	simm.s32 @!p0 $0x1C03  }
0x56: {  	[timem:s3], [sflag:s2] =	dma.local @!p0 [hbm:s0], s1  }
0x57: {  	s0 =	simm.s32 @!p0 $0x3  }
0x58: {  	_ =	swait.ge @!p0 [sflag:s0], s1  }
0x59: {  	s1 =	ssub.s32 @!p0 $0x0, s1;
	[sflag:s0] =	ssyncset.done @!p0 $0x0  }
0x5a: {  	[sflag:s0] =	ssyncadd.s32 @!p0 s1  }
0x5b: {  	[bflag:$0x3] =	sbarrier.arrive $0xFFFF  }
0x5c: {  	_ =	shalt  }

// kernel: kernel.9.cloned.1.call-start
scs
__scs_entry_jumppad:
0x0: {  	(pc) =	sbr.rel $0x88, $3  }
0x1: {  	(tag) =	ssettag $0x0;
	lr =	simm.s32 $0x1  }
0x2: {  	[smem:$0x3F91] =	sst lr;
	_ =	strace $0xD0000000  }
0x3: {  	_ = 	snop  }
0x4: {  	_ = 	snop  }
0x5: {  	_ = 	snop  }
0x6: {  	_ = 	snop  }
0x7: {  	_ = 	snop  }
__scs_overlays_trampoline_lowered:
0x8: {  	[smem:$0x3FA0] =	sst s0  }
0x9: {  	[smem:$0x3FA1] =	sst s1  }
0xa: {  	[smem:$0x3FA2] =	sst s2  }
0xb: {  	[smem:$0x3FA3] =	sst s3  }
0xc: {  	[smem:$0x3FA4] =	sst s4  }
0xd: {  	[smem:$0x3FA5] =	sst s5  }
0xe: {  	[smem:$0x3FA6] =	sst s6  }
0xf: {  	[smem:$0x3FA7] =	sst s7  }
0x10: {  	[smem:$0x3FA8] =	sst s8  }
0x11: {  	[smem:$0x3FA9] =	sst s9;
	s0 =	simm.s32 @!p0 $0x0  }
0x12: {  	s1 =	sld [smem:$0x3F8F];
	s0 =	simm.s32 @p0 $0x1  }
0x13: {  	[smem:$0x3FAA] =	sst s0;
	s0 =	simm.s32 @!p1 $0x0  }
0x14: {  	s2 =	sld [smem:$0x3F8E];
	s0 =	simm.s32 @p1 $0x1  }
0x15: {  	[smem:$0x3FAB] =	sst s0;
	s0 =	simm.s32 @!p2 $0x0  }
0x16: {  	s3 =	sld [smem:$0x3FDB];
	s0 =	simm.s32 @p2 $0x1  }
0x17: {  	s4 =	simm.s32 $0x1BF5;
	[smem:$0x3FAD] =	sst s0  }
0x18: {  	s0 =	sld [smem:$0x3F90];
	_ =	swait.ge [sflag:s4], $0x0  }
0x19: {  	s7 =	sld [smem:$0x3F91]  }
0x1a: {  	s8 =	sadd.s32 $0xFFFFE003, lr  }
0x1b: {  	s9 =	sadd.s32 $0xFFFFFEF7, lr;
	s5 =	simm.s32 $0xFFFFFFFF;
	p2 =	slt.u32 s8, $0xFFFFF086  }
0x1c: {  	p1 =	slt.u32 s9, $0xF7A;
	s5 =	simm.s32 @!p2 $0x0  }
0x1d: {  	s5 =	simm.s32 @p1 $0x1;
	p0 =	seq.s32 s7, s2  }
0x1e: {  	s7 =	smul.u32 @!p0 $0xF7A, s2;
	p2 =	seq.s32 @!p0 s5, $0x0  }
0x1f: {  	s9 =	smul.u32 $0xF7A, s1;
	s8 =	simm.s32 @!p0 $0x1BF5;
	p2 =	por !p2, p0  }
0x20: {  	[sflag:s8] =	ssyncset.s32 @!p0 $0xFFFFF086;
	s6 =	sadd.s32 @!p0 s3, s7;
	s7 =	simm.s32 @!p0 $0x108  }
0x21: {  	s3 =	sadd.s32 s3, s9;
	s6 =	sadd.s32 @!p0 $0x88, s6;
	s7 =	simm.s32 @p2 $0x1082  }
0x22: {  	[simem:s7], [sflag:s8] =	dma.local @!p0 [hbm:s6], $0xF7A  }
0x23: {  	s9 =	sor.u32 $0xD0000000, s2;
	s6 =	simm.s32 $0x108;
	_ =	swait.ge @!p0 [sflag:s8], $0x0  }
0x24: {  	s3 =	sadd.s32 $0x88, s3;
	s6 =	simm.s32 @!p1 $0x1082;
	[sflag:s4] =	ssyncset.s32 $0xFFFFF086  }
0x25: {  	[simem:s6], [sflag:s4] =	dma.local [hbm:s3], $0xF7A  }
0x26: {  	[smem:$0x3F91] =	sst s1;
	(tag) =	ssettag s2;
	_ =	strace s9  }
0x27: {  	s1 =	sld [smem:$0x3FA1]  }
0x28: {  	s2 =	sld [smem:$0x3FA2]  }
0x29: {  	s4 =	sld [smem:$0x3FA4]  }
0x2a: {  	p0 =	seq.s32 s5, $0x0;
	s5 =	sld [smem:$0x3FA5]  }
0x2b: {  	s6 =	sld [smem:$0x3FA6]  }
0x2c: {  	s7 =	sld [smem:$0x3FA7]  }
0x2d: {  	s3 =	simm.s32 $0x108;
	s8 =	sld [smem:$0x3FA8]  }
0x2e: {  	s3 =	simm.s32 @!p0 $0x1082;
	s9 =	sld [smem:$0x3FA9]  }
0x2f: {  	lr =	sadd.s32 s0, s3;
	s0 =	sld [smem:$0x3FA0]  }
0x30: {  	s3 =	sld [smem:$0x3FA3]  }
0x31: {  	[smem:$0x3FAC] =	sst s10  }
0x32: {  	s10 =	sld [smem:$0x3FAA];
	_ =	sdelay $0x3  }
0x33: {  	p0 =	seq.s32 s10, $0x1;
	s10 =	sld [smem:$0x3FAC];
	_ =	sdelay $0x3  }
0x34: {  	[smem:$0x3FAC] =	sst s10  }
0x35: {  	s10 =	sld [smem:$0x3FAB];
	_ =	sdelay $0x3  }
0x36: {  	p1 =	seq.s32 s10, $0x1;
	s10 =	sld [smem:$0x3FAC];
	_ =	sdelay $0x3  }
0x37: {  	[smem:$0x3FAC] =	sst s10  }
0x38: {  	s10 =	sld [smem:$0x3FAD]  }
0x39: {  	_ = 	snop;
	(pc) =	sbr.ind lr, $3  }
0x3a: {  	_ = 	snop  }
0x3b: {  	_ = 	snop  }
0x3c: {  	p2 =	seq.s32 s10, $0x1;
	s10 =	sld [smem:$0x3FAC]  }
0x3d: {  	_ =	shalt  }
0x3e: {  	_ =	shalt  }
0x3f: {  	_ =	shalt  }
0x40: {  	_ =	shalt  }
0x41: {  	_ =	shalt  }
0x42: {  	_ =	shalt  }
0x43: {  	_ =	shalt  }
0x44: {  	_ =	shalt  }
0x45: {  	_ =	shalt  }
0x46: {  	_ =	shalt  }
0x47: {  	_ =	shalt  }
0x48: {  	_ =	shalt  }
0x49: {  	_ =	shalt  }
0x4a: {  	_ =	shalt  }
0x4b: {  	_ =	shalt  }
0x4c: {  	_ =	shalt  }
0x4d: {  	_ =	shalt  }
0x4e: {  	_ =	shalt  }
0x4f: {  	_ =	shalt  }
0x50: {  	_ =	shalt  }
0x51: {  	_ =	shalt  }
0x52: {  	_ =	shalt  }
0x53: {  	_ =	shalt  }
0x54: {  	_ =	shalt  }
0x55: {  	_ =	shalt  }
0x56: {  	_ =	shalt  }
0x57: {  	_ =	shalt  }
0x58: {  	_ =	shalt  }
0x59: {  	_ =	shalt  }
0x5a: {  	_ =	shalt  }
0x5b: {  	_ =	shalt  }
0x5c: {  	_ =	shalt  }
0x5d: {  	_ =	shalt  }
0x5e: {  	_ =	shalt  }
0x5f: {  	_ =	shalt  }
0x60: {  	_ =	shalt  }
0x61: {  	_ =	shalt  }
0x62: {  	_ =	shalt  }
0x63: {  	_ =	shalt  }
0x64: {  	_ =	shalt  }
0x65: {  	_ =	shalt  }
0x66: {  	_ =	shalt  }
0x67: {  	_ =	shalt  }
0x68: {  	_ =	shalt  }
0x69: {  	_ =	shalt  }
0x6a: {  	_ =	shalt  }
0x6b: {  	_ =	shalt  }
0x6c: {  	_ =	shalt  }
0x6d: {  	_ =	shalt  }
0x6e: {  	_ =	shalt  }
0x6f: {  	_ =	shalt  }
0x70: {  	_ =	shalt  }
0x71: {  	_ =	shalt  }
0x72: {  	_ =	shalt  }
0x73: {  	_ =	shalt  }
0x74: {  	_ =	shalt  }
0x75: {  	_ =	shalt  }
0x76: {  	_ =	shalt  }
0x77: {  	_ =	shalt  }
0x78: {  	_ =	shalt  }
0x79: {  	_ =	shalt  }
0x7a: {  	_ =	shalt  }
0x7b: {  	_ =	shalt  }
0x7c: {  	_ =	shalt  }
0x7d: {  	_ =	shalt  }
0x7e: {  	_ =	shalt  }
0x7f: {  	_ =	shalt  }
0x80: {  	_ =	shalt  }
0x81: {  	_ =	shalt  }
0x82: {  	_ =	shalt  }
0x83: {  	_ =	shalt  }
0x84: {  	_ =	shalt  }
0x85: {  	_ =	shalt  }
0x86: {  	_ =	shalt  }
0x87: {  	_ =	shalt  }
.Lfunc_end0:
.L_simem_size_0:
called_computation_lowered:
.L_overlay_start_0:
0x88: {  	s2 =	sld [smem:$0x3FD9]  }
0x89: {  	s3 =	sld [smem:$0x3FFE];
	_ =	sdelay $0x1  }
0x8a: {  	s1 =	srdreg.scid  }
0x8b: {  	s0 =	sand.u32 $0x1, s1  }
0x8c: {  	s16 =	sshll.u32 s0, $0xA;
	s2 =	sadd.s32 s3, s2  }
0x8d: {  	s2 =	sadd.s32 s2, s16  }
0x8e: {  	[smem:$0x3FB8] =	sst s2  }
0x8f: {  	_ = 	snop  }
0x90: {  	(tm) =	ssettm $0x1  }
0x91: {  	s17 =	sld [smem:$0x3FFB];
	_ =	sdelay $0x3  }
0x92: {  	_ =	strace s17  }
0x93: {  	s2 =	sld [smem:$0x3FFC];
	_ =	sdelay $0x3  }
0x94: {  	_ =	strace s2  }
0x95: {  	s2 =	sld [smem:$0x3FFD];
	_ =	sdelay $0x3  }
0x96: {  	_ =	strace s2  }
0x97: {  	_ =	strace $0x8FFFFFFF  }
0x98: {  	s18 =	sld [smem:$0x3FDB];
	_ =	sdelay $0x1  }
0x99: {  	s19 =	simm.s32 $_scs_section_size  }
0x9a: {  	s4 =	simm.s32 $_size__tile_overlayer_lowered;
	s5 =	simm.s32 $_tile_overlayer_lowered  }
0x9b: {  	s22 =	simm.s32 $0x1BFF;
	s21 =	sshll.u32 s5, $0x1;
	s2 =	sadd.s32 s19, s18  }
0x9c: {  	s6 =	simm.s32 $0x0;
	s20 =	sshll.u32 s4, $0x1;
	s4 =	sadd.s32 s21, s2  }
0x9d: {  	[timem:s6], [sflag:s22] =	dma.local [hbm:s4], s20  }
0x9e: {  	_ =	swait.ge [sflag:s22], s20  }
0x9f: {  	s3 =	ssub.s32 $0x0, s20;
	[sflag:s22] =	ssyncset.done $0x0  }
0xa0: {  	[sflag:s22] =	ssyncadd.s32 s3;
	_ =	sdelay $0x1  }
0xa1: {  	s23 =	simm.s32 $0x1B8B  }
0xa2: {  	_ =	swait.ge [sflag:s23], $0x1  }
0xa3: {  	[sflag:s23] =	ssyncset.done $0x0  }
0xa4: {  	s25 =	simm.s32 $0x1B8E;
	s24 =	sld [smem:$0x3FFE];
	[sflag:s23] =	ssyncadd.s32 $0xFFFFFFFF  }
0xa5: {  	s26 =	simm.s32 $execute0_lowered;
	[smem:$0x3FD2] =	sst s25  }
0xa6: {  	s4 =	sshll.u32 s26, $0x1;
	_ =	strace $0x80000046;
	[dreg:$0x1] =	wrdreg $0xFFFFFFFF  }
0xa7: {  	s28 =	simm.s32 $_size_execute0_lowered;
	s2 =	sadd.s32 s2, s4;
	[dreg:$0x0] =	wrdreg $0x0  }
0xa8: {  	s4 =	sshll.u32 s28, $0x1;
	[dreg:$0x2] =	wrdreg s2  }
0xa9: {  	[dreg:$0x3] =	wrdreg s4  }
0xaa: {  	[dreg:$0x4] =	wrdreg $0xC0  }
0xab: {  	_ =	task [dreg:s6], $0x5FFFF  }
0xac: {  	[dreg:$0x1] =	wrdreg $0xFFFFFFFF  }
0xad: {  	[dreg:$0x0] =	wrdreg $0x60  }
0xae: {  	[dreg:$0x2] =	wrdreg s24  }
0xaf: {  	[dreg:$0x3] =	wrdreg $0x0  }
0xb0: {  	[dreg:$0x4] =	wrdreg $0x9  }
0xb1: {  	_ =	task.clear_ibuf [dreg:s6], $0x5FFFF;
	_ =	strace $0x90000046  }
0xb2: {  	s29 =	simm.s32 $0x9;
	_ =	strace $0x80000048  }
0xb3: {  	_ =	swait.ge [sflag:s29], $0x1  }
0xb4: {  	[sflag:s29] =	ssyncadd.s32 $0xFFFFFFFF  }
0xb5: {  	_ =	strace $0x90000048  }
0xb6: {  	_ =	sfence  }
0xb7: {  	s30 =	sld [smem:$0x0];
	_ =	sdelay $0x2  }
0xb8: {  	s31 =	sshll.u32 s1, $0xD;
	s1 =	sshrl.u32 s1, $0x2  }
0xb9: {  	s3 =	sand.u32 $0x4000, s31;
	s1 =	sadd.s32 s1, s30  }
0xba: {  	s0 =	sor.u32 s3, s0;
	s1 =	sshll.u32 s1, $0x11  }
0xbb: {  	s0 =	sor.u32 s1, s0  }
0xbc: {  	s0 =	sadd.s32 $0x8F2B, s0  }
0xbd: {  	[sflag:s0] =	ssyncadd.remote.s32 $0x1  }
0xbe: {  	_ =	sfence.sel $0xFFFF  }
0xbf: {  	[dreg:$0x0] =	wrdreg $0xFFFFFFFF;
	(pc) =	sbr.abs _section_cstart, $3  }
0xc0: {  	[dreg:$0x1] =	wrdreg $0xFFFFFFFF  }
0xc1: {  	_ =	task.clear_ibuf [dreg:s6], $0x2FFFF;
	_ =	strace $0x9FFFFFFF  }
0xc2: {  	(tm) =	ssettm $0x7FFFFFFF  }
0xc3: {  	_ =	shalt  }
tec
execute0_lowered:
.L_overlay_start_1:
0x0: {  	(tag) =	ssettag $0x1  }
0x1: {  	s5 =	rddreg [dreg:$0x0];
	s0 =	srdreg.scid  }
0x2: {  	s2 =	rddreg [dreg:$0x1];
	s1 =	stileid.u32;
	s3 =	simm.s32 $0x0  }
0x3: {  	s13 =	simm.s32 $0x13C00;
	s14 =	simm.s32 $0x13C80;
	s15 =	simm.s32 $0x80  }
0x4: {  	s16 =	simm.s32 $0x13D00;
	s17 =	simm.s32 $0x2;
	s8 =	smul.u32 $0x2780, s1  }
0x5: {  	s18 =	simm.s32 $0x1;
	s19 =	simm.s32 $0x0;
	s26 =	smul.u32 $0x4F000, s1  }
0x6: {  	s6 =	sand.u32 $0x1, s0;
	s0 =	rddreg [dreg:$0x2];
	s30 =	smul.u32 $0x500, s1  }
0x7: {  	[smem:$0x7FF] =	sst s3;
	s4 =	sadd.s32 $0x17000, s5;
	s7 =	smul.u32 $0x5000, s6  }
0x8: {  	s31 =	sshll.u32 s1, $0x6;
	s9 =	smul.u32 $0x27800, s6;
	s6 =	ssub.s32 $0x2, s6  }
0x9: {  	_ =	strace $0x80000047;
	s28 =	sshrl.u32 s6, $0x1;
	s29 =	sshrl.u32 s26, $0x2  }
0xa: {  	s10 =	sadd.s32 s7, s5;
	s25 =	sadd.s32 s8, s9;
	s8 =	sadd.s32 s8, s5  }
0xb: {  	s11 =	ssub.s32 s6, s28;
	s12 =	sadd.s32 s29, s2;
	s6 =	sor.u32 $0x1C03, s31  }
0xc: {  	s7 =	sadd.s32 s25, s5;
	s5 =	sadd.s32 $0x3E200, s8;
	s10 =	sadd.s32 s30, s10  }
0xd: {  	s8 =	smax.u32 s11, $0x1;
	s11 =	sshrl.u32 s12, $0x3;
	s12 =	simm.s32 $0x3  }
0xe: {  	s7 =	sadd.s32 $0x65A00, s7;
	s9 =	sadd.s32 $0xD000, s10;
	s10 =	sadd.s32 $0x3000, s10  }
.LBB2_1:
0xf: {  	[spmem:s11], [sflag:s6] =	dma.local [hbm:s5], $0x2780  }
0x10: {  	_ =	swait.ge [sflag:s12], $0x2780  }
0x11: {  	[sflag:s12] =	ssyncset.done $0x0  }
0x12: {  	[sflag:s12] =	ssyncadd.s32 $0xFFFFD880  }
0x13: {  	s20 =	sadd.s32 $0x0, s10;
	[bflag:$0x0] =	sbarrier.arrive $0xFFFF  }
0x14: {  	[tilespmem:s13], [sflag:$0x3] =	stream.linear.gather [hbm4b:s20+s3], $0x80, $0x38;
	[tilespmem:$0x17D00] =	vst v63  }
0x15: {  	_ =	swait.ge [sflag:s12], $0x80  }
0x16: {  	[sflag:s12] =	ssyncset.done $0x0  }
0x17: {  	s31 =	sadd.s32 $0x0, s9;
	[sflag:s12] =	ssyncadd.s32 $0xFFFFFF80  }
0x18: {  	[tilespmem:s14], [sflag:$0x2] =	stream.linear.gather [hbm4b:s31+s3], $0x80, $0x38;
	[tilespmem:$0x17D00] =	vst v63  }
0x19: {  	_ = 	snop  }
0x1a: {  	[tilespmem:s16], [sflag:$0x1] =	stream.indirect.gather [hbm4b:s4+s15], $0x80, s13, s15, $0xb8;
	[tilespmem:$0x17D00] =	vst v63  }
0x1b: {  	_ =	swait.ge [sflag:s17], $0x80  }
0x1c: {  	[sflag:s17] =	ssyncset.done $0x0  }
0x1d: {  	[sflag:s17] =	ssyncadd.s32 $0xFFFFFF80  }
0x1e: {  	_ =	swait.ge [sflag:s18], $0x4000  }
0x1f: {  	[sflag:s18] =	ssyncset.done $0x0  }
0x20: {  	[sflag:s18] =	ssyncadd.s32 $0xFFFFC000  }
0x21: {  	[spmem:s2] =	stream.indirect.scatter.add.f32 [tilespmem:s16], [sflag:$0x3], $0x80, s14, s15, $0xb8;
	[tilespmem:$0x17D00] =	vst v63  }
0x22: {  	_ =	swait.ge [sflag:s12], $0x4000  }
0x23: {  	s21 =	simm.s32 $0x20;
	s20 =	simm.s32 $0x10;
	[sflag:s12] =	ssyncset.done $0x0  }
.LBB2_2:
0x24: {  	s22 =	sadd.s32 s20, s10  }
0x25: {  	[sflag:s12] =	ssyncadd.s32 $0xFFFFC000;
	s23 =	smov.u32 s21;
	s24 =	sadd.s32 $0x10, s21  }
0x26: {  	[tilespmem:s13], [sflag:$0x3] =	stream.linear.gather [hbm4b:s22+s3], $0x80, $0x38;
	[tilespmem:$0x17D00] =	vst v63  }
0x27: {  	p0 =	sne.s32 s21, $0x4F0;
	_ =	swait.ge [sflag:s12], $0x80  }
0x28: {  	[sflag:s12] =	ssyncset.done $0x0  }
0x29: {  	s21 =	sadd.s32 s20, s9;
	s20 =	smov.u32 s23;
	[sflag:s12] =	ssyncadd.s32 $0xFFFFFF80  }
0x2a: {  	[tilespmem:s14], [sflag:$0x2] =	stream.linear.gather [hbm4b:s21+s3], $0x80, $0x38;
	[tilespmem:$0x17D00] =	vst v63  }
0x2b: {  	_ = 	snop  }
0x2c: {  	[tilespmem:s16], [sflag:$0x1] =	stream.indirect.gather [hbm4b:s4+s15], $0x80, s13, s15, $0xb8;
	[tilespmem:$0x17D00] =	vst v63  }
0x2d: {  	_ =	swait.ge [sflag:s17], $0x80  }
0x2e: {  	[sflag:s17] =	ssyncset.done $0x0  }
0x2f: {  	[sflag:s17] =	ssyncadd.s32 $0xFFFFFF80  }
0x30: {  	_ =	swait.ge [sflag:s18], $0x4000  }
.Ltmp0:
0x31: {  	[sflag:s18] =	ssyncset.done $0x0;
	(pc) =	sbr.rel @p0 .LBB2_2-.Ltmp0, $4  }
0x32: {  	[sflag:s18] =	ssyncadd.s32 $0xFFFFC000  }
0x33: {  	[spmem:s2] =	stream.indirect.scatter.add.f32 [tilespmem:s16], [sflag:$0x3], $0x80, s14, s15, $0xb8;
	[tilespmem:$0x17D00] =	vst v63  }
0x34: {  	_ =	swait.ge [sflag:s12], $0x4000  }
0x35: {  	s21 =	smov.u32 s24;
	[sflag:s12] =	ssyncset.done $0x0  }
0x36: {  	s21 =	sadd.s32 s20, s10;
	[sflag:s12] =	ssyncadd.s32 $0xFFFFC000  }
0x37: {  	[tilespmem:s13], [sflag:$0x3] =	stream.linear.gather [hbm4b:s21+s3], $0x80, $0x38;
	[tilespmem:$0x17D00] =	vst v63  }
0x38: {  	_ =	swait.ge [sflag:s12], $0x80  }
0x39: {  	[sflag:s12] =	ssyncset.done $0x0  }
0x3a: {  	s31 =	sadd.s32 s20, s9;
	[sflag:s12] =	ssyncadd.s32 $0xFFFFFF80  }
0x3b: {  	[tilespmem:s14], [sflag:$0x2] =	stream.linear.gather [hbm4b:s31+s3], $0x80, $0x38;
	[tilespmem:$0x17D00] =	vst v63  }
0x3c: {  	_ = 	snop  }
0x3d: {  	[tilespmem:s16], [sflag:$0x1] =	stream.indirect.gather [hbm4b:s4+s15], $0x80, s13, s15, $0xb8;
	[tilespmem:$0x17D00] =	vst v63  }
0x3e: {  	_ =	swait.ge [sflag:s17], $0x80  }
0x3f: {  	[sflag:s17] =	ssyncset.done $0x0  }
0x40: {  	[sflag:s17] =	ssyncadd.s32 $0xFFFFFF80  }
0x41: {  	_ =	swait.ge [sflag:s18], $0x4000  }
0x42: {  	[sflag:s18] =	ssyncset.done $0x0  }
0x43: {  	[sflag:s18] =	ssyncadd.s32 $0xFFFFC000  }
0x44: {  	[spmem:s2] =	stream.indirect.scatter.add.f32 [tilespmem:s16], [sflag:$0x3], $0x80, s14, s15, $0xb8;
	[tilespmem:$0x17D00] =	vst v63  }
0x45: {  	_ =	swait.ge [sflag:s12], $0x4000  }
0x46: {  	s19 =	sadd.s32 $0x1, s19;
	[sflag:s12] =	ssyncset.done $0x0  }
0x47: {  	p0 =	sne.s32 s19, s8;
	[sflag:s12] =	ssyncadd.s32 $0xFFFFC000  }
.Ltmp1:
0x48: {  	[bflag:$0x0] =	sbarrier.arrive $0xFFFF;
	(pc) =	sbr.rel @p0 .LBB2_1-.Ltmp1, $4  }
0x49: {  	[hbm:s7], [sflag:s6] =	dma.local [spmem:s11], $0x2780  }
0x4a: {  	_ =	swait.ge [sflag:s12], $0x2780  }
0x4b: {  	[sflag:s12] =	ssyncset.done $0x0  }
0x4c: {  	[sflag:s12] =	ssyncadd.s32 $0xFFFFD880  }
0x4d: {  	_ =	sfence.sel $0x180000  }
0x4e: {  	[bflag:$0x0] =	sbarrier.arrive $0xFFFF  }
0x4f: {  	p0 =	sne.s32 s1, $0x0;
	_ =	strace $0x90000047  }
0x50: {  	s0 =	sadd.s32 @!p0 $0x100000, s0;
	[bflag:$0x2] =	sbarrier.arrive $0xFFFF  }
0x51: {  	[sflag:s0] =	ssyncadd.tile.s32 @!p0 $0x1;
	_ =	shalt  }
.Lfunc_end2:
_tile_overlayer_lowered:
.L_overlay_start_2:
0x52: {  	(tag) =	ssettag $0x2  }
0x53: {  	s0 =	rddreg [dreg:$0x0];
	s2 =	stileid.u32  }
0x54: {  	s1 =	rddreg [dreg:$0x1];
	p0 =	sne.s32 s2, $0x0  }
0x55: {  	s3 =	rddreg [dreg:$0x2];
	[bflag:$0x3] =	sbarrier.arrive $0xFFFF;
	s2 =	simm.s32 @!p0 $0x1C03  }
0x56: {  	[timem:s3], [sflag:s2] =	dma.local @!p0 [hbm:s0], s1  }
0x57: {  	s0 =	simm.s32 @!p0 $0x3  }
0x58: {  	_ =	swait.ge @!p0 [sflag:s0], s1  }
0x59: {  	s1 =	ssub.s32 @!p0 $0x0, s1;
	[sflag:s0] =	ssyncset.done @!p0 $0x0  }
0x5a: {  	[sflag:s0] =	ssyncadd.s32 @!p0 s1  }
0x5b: {  	[bflag:$0x3] =	sbarrier.arrive $0xFFFF  }
0x5c: {  	_ =	shalt  }

</sc_bundles>
